<compile_context>
chip_gen: v7x
topology: tpu7x:2x2x1
jax: 0.10.2.dev20260603
libtpu: 0.0.44.dev20260713+nightly
codegen_flags: <defaults>
</compile_context>

<pallas_src>
import jax
import jax.numpy as jnp
from jax.experimental import pallas as pl

_PRE_NMS_TOP_N = 2000
_POST_NMS_TOP_N = 1000
_NMS_THRESH = 0.7
_IMG_H, _IMG_W = 800.0, 800.0
_BBOX_XFORM_CLIP = 4.135166556742356
_NPAD = 2048


def _rpn_nms_kernel(scores_ref, dr_ref, ar_ref, dc_ref, ac_ref,
                    boxes_out_ref, mscores_out_ref):
    n = _NPAD
    s = scores_ref[0]
    dr = dr_ref[0]
    ar = ar_ref[0]
    dc = dc_ref[0]
    ac = ac_ref[0]

    def decode_clip(a0, a1, a2, a3, d0, d1, d2, d3):
        wa = a2 - a0
        ha = a3 - a1
        cxa = a0 + 0.5 * wa
        cya = a1 + 0.5 * ha
        dw = jnp.minimum(d2, _BBOX_XFORM_CLIP)
        dh = jnp.minimum(d3, _BBOX_XFORM_CLIP)
        pcx = d0 * wa + cxa
        pcy = d1 * ha + cya
        pw = jnp.exp(dw) * wa
        ph = jnp.exp(dh) * ha
        x1 = jnp.clip(pcx - 0.5 * pw, 0.0, _IMG_W)
        y1 = jnp.clip(pcy - 0.5 * ph, 0.0, _IMG_H)
        x2 = jnp.clip(pcx + 0.5 * pw, 0.0, _IMG_W)
        y2 = jnp.clip(pcy + 0.5 * ph, 0.0, _IMG_H)
        return x1, y1, x2, y2

    x1r, y1r, x2r, y2r = decode_clip(
        ar[0:1, :], ar[1:2, :], ar[2:3, :], ar[3:4, :],
        dr[0:1, :], dr[1:2, :], dr[2:3, :], dr[3:4, :])
    x1c, y1c, x2c, y2c = decode_clip(
        ac[:, 0:1], ac[:, 1:2], ac[:, 2:3], ac[:, 3:4],
        dc[:, 0:1], dc[:, 1:2], dc[:, 2:3], dc[:, 3:4])

    wr = x2r - x1r
    hr = y2r - y1r
    area_r = wr * hr
    area_c = (x2c - x1c) * (y2c - y1c)

    col = jax.lax.broadcasted_iota(jnp.int32, (1, n), 1)
    valid = (col < _PRE_NMS_TOP_N) & (wr >= 0.0) & (hr >= 0.0)
    valid_f = jnp.where(valid, 1.0, 0.0)

    iw = jnp.maximum(jnp.minimum(x2c, x2r) - jnp.maximum(x1c, x1r), 0.0)
    ih = jnp.maximum(jnp.minimum(y2c, y2r) - jnp.maximum(y1c, y1r), 0.0)
    inter = iw * ih
    union = area_c + area_r - inter
    iou = inter / jnp.maximum(union, 1e-9)
    ri = jax.lax.broadcasted_iota(jnp.int32, (n, n), 0)
    ci = jax.lax.broadcasted_iota(jnp.int32, (n, n), 1)
    sup_mat = jnp.where((iou > _NMS_THRESH) & (ri < ci), 1.0, 0.0)

    def cond(carry):
        _, changed = carry
        return changed

    def body(carry):
        keep, _ = carry
        nsup = jax.lax.dot(keep, sup_mat,
                           preferred_element_type=jnp.float32)
        keep_new = jnp.where(nsup > 0.0, 0.0, valid_f)
        return keep_new, jnp.any(keep_new != keep)

    keep, _ = jax.lax.while_loop(cond, body, (valid_f, True))

    boxes_out_ref[0, 0:1, :] = x1r
    boxes_out_ref[0, 1:2, :] = y1r
    boxes_out_ref[0, 2:3, :] = x2r
    boxes_out_ref[0, 3:4, :] = y2r
    mscores_out_ref[0] = jnp.where(keep > 0.0, s, -jnp.inf)


def kernel(objectness, pred_bbox_deltas, anchors):
    b, a = objectness.shape
    scores, topk_idx = jax.lax.top_k(objectness, _PRE_NMS_TOP_N)
    ag = anchors[topk_idx]
    dg = jnp.take_along_axis(pred_bbox_deltas, topk_idx[:, :, None], axis=1)

    pad = _NPAD - _PRE_NMS_TOP_N
    s_p = jnp.pad(scores, ((0, 0), (0, pad)),
                  constant_values=-jnp.inf).reshape(b, 1, _NPAD)
    ag_c = jnp.pad(ag, ((0, 0), (0, pad), (0, 0)))
    dg_c = jnp.pad(dg, ((0, 0), (0, pad), (0, 0)))
    ag_r = ag_c.transpose(0, 2, 1)
    dg_r = dg_c.transpose(0, 2, 1)

    n = _NPAD
    boxes_r, mscores = pl.pallas_call(
        _rpn_nms_kernel,
        grid=(b,),
        in_specs=[
            pl.BlockSpec((1, 1, n), lambda i: (i, 0, 0)),
            pl.BlockSpec((1, 4, n), lambda i: (i, 0, 0)),
            pl.BlockSpec((1, 4, n), lambda i: (i, 0, 0)),
            pl.BlockSpec((1, n, 4), lambda i: (i, 0, 0)),
            pl.BlockSpec((1, n, 4), lambda i: (i, 0, 0)),
        ],
        out_specs=[
            pl.BlockSpec((1, 4, n), lambda i: (i, 0, 0)),
            pl.BlockSpec((1, 1, n), lambda i: (i, 0, 0)),
        ],
        out_shape=[
            jax.ShapeDtypeStruct((b, 4, n), jnp.float32),
            jax.ShapeDtypeStruct((b, 1, n), jnp.float32),
        ],
    )(s_p, dg_r, ag_r, dg_c, ag_c)

    boxes = boxes_r[:, :, :_PRE_NMS_TOP_N].transpose(0, 2, 1)
    ms = mscores[:, 0, :_PRE_NMS_TOP_N]
    final_scores, sel = jax.lax.top_k(ms, _POST_NMS_TOP_N)
    final_boxes = jnp.take_along_axis(boxes, sel[:, :, None], axis=1)
    return final_boxes, final_scores

# --- scband reference (transcript-rebuilt; emitter-appended) ---
"""Pipeline reference for scband-rpn-52647709115001 (READ-ONLY COPY).

The authoritative reference and input builder live on the scoring server;
editing this copy changes nothing except your own understanding.
"""

import jax, jax.numpy as jnp
import numpy as np

B = 2
A = 20000
PRE_NMS_TOP_N = 2000
POST_NMS_TOP_N = 1000
NMS_THRESH = 0.7
MIN_SIZE = 0.0
IMG_H, IMG_W = 800.0, 800.0
BBOX_XFORM_CLIP = float(np.log(1000.0 / 16.0))


def setup_inputs(seed: int = 0):
    key = jax.random.key(seed)
    k1, k2, k3, k4, k5, k6 = jax.random.split(key, 6)
    cx = jax.random.uniform(k1, (A,), dtype=jnp.float32) * IMG_W
    cy = jax.random.uniform(k2, (A,), dtype=jnp.float32) * IMG_H
    w = 16.0 + jax.random.uniform(k3, (A,), dtype=jnp.float32) * 240.0
    h = 16.0 + jax.random.uniform(k4, (A,), dtype=jnp.float32) * 240.0
    anchors = jnp.stack([cx - 0.5 * w, cy - 0.5 * h, cx + 0.5 * w, cy + 0.5 * h], axis=1)
    objectness = jax.random.normal(k5, (B, A), dtype=jnp.float32)
    pred_bbox_deltas = jax.random.normal(k6, (B, A, 4), dtype=jnp.float32) * 0.1
    return {"objectness": objectness, "pred_bbox_deltas": pred_bbox_deltas, "anchors": anchors}


def decode_boxes(deltas, anchors):
    # BoxCoder.decode with weights (1,1,1,1)
    widths = anchors[:, 2] - anchors[:, 0]
    heights = anchors[:, 3] - anchors[:, 1]
    ctr_x = anchors[:, 0] + 0.5 * widths
    ctr_y = anchors[:, 1] + 0.5 * heights
    dx = deltas[..., 0]
    dy = deltas[..., 1]
    dw = jnp.minimum(deltas[..., 2], BBOX_XFORM_CLIP)
    dh = jnp.minimum(deltas[..., 3], BBOX_XFORM_CLIP)
    pred_ctr_x = dx * widths + ctr_x
    pred_ctr_y = dy * heights + ctr_y
    pred_w = jnp.exp(dw) * widths
    pred_h = jnp.exp(dh) * heights
    return jnp.stack([
        pred_ctr_x - 0.5 * pred_w,
        pred_ctr_y - 0.5 * pred_h,
        pred_ctr_x + 0.5 * pred_w,
        pred_ctr_y + 0.5 * pred_h,
    ], axis=-1)


def clip_boxes_to_image(boxes):
    x1 = jnp.clip(boxes[:, 0], 0.0, IMG_W)
    y1 = jnp.clip(boxes[:, 1], 0.0, IMG_H)
    x2 = jnp.clip(boxes[:, 2], 0.0, IMG_W)
    y2 = jnp.clip(boxes[:, 3], 0.0, IMG_H)
    return jnp.stack([x1, y1, x2, y2], axis=-1)


def pairwise_iou(boxes):
    area = (boxes[:, 2] - boxes[:, 0]) * (boxes[:, 3] - boxes[:, 1])
    lt = jnp.maximum(boxes[:, None, :2], boxes[None, :, :2])
    rb = jnp.minimum(boxes[:, None, 2:], boxes[None, :, 2:])
    wh = jnp.maximum(rb - lt, 0.0)
    inter = wh[..., 0] * wh[..., 1]
    union = area[:, None] + area[None, :] - inter
    return inter / jnp.maximum(union, 1e-9)


def nms_keep(boxes, init_keep):
    # boxes are sorted by descending score; iterative greedy NMS
    iou = pairwise_iou(boxes)
    n = boxes.shape[0]
    idxs = jnp.arange(n)
    def body(i, keep):
        suppress = (iou[i] > NMS_THRESH) & keep[i] & (idxs > i)
        return keep & (~suppress)
    return jax.lax.fori_loop(0, n, body, init_keep)


def per_image(obj, props):
    # select_top_n_pre_nms
    scores, topk_idx = jax.lax.top_k(obj, PRE_NMS_TOP_N)
    boxes = props[topk_idx]
    # clip_and_nms
    boxes = clip_boxes_to_image(boxes)
    widths = boxes[:, 2] - boxes[:, 0]
    heights = boxes[:, 3] - boxes[:, 1]
    keep_small = (widths >= MIN_SIZE) & (heights >= MIN_SIZE)
    keep = nms_keep(jax.lax.stop_gradient(boxes), keep_small)
    # limit_max_proposals (fixed-size output; suppressed slots padded with -inf score)
    masked_scores = jnp.where(keep, scores, -jnp.inf)
    final_scores, sel = jax.lax.top_k(masked_scores, POST_NMS_TOP_N)
    final_boxes = boxes[sel]
    return final_boxes, final_scores


def reference(objectness, pred_bbox_deltas, anchors):
    # apply_deltas_to_anchors is under torch.no_grad in the original -> stop_gradient
    proposals = jax.lax.stop_gradient(decode_boxes(pred_bbox_deltas, anchors))
    final_boxes, final_scores = jax.vmap(per_image)(objectness, proposals)
    return final_boxes, final_scores

if __name__ == "__main__":
    import jax
    _d = setup_inputs()
    print(jax.jit(kernel)(*tuple(_d.values())))

</pallas_src>

<mosaic_0001>
module attributes {stable_mosaic.version = 14 : i64} {
  func.func @_rpn_nms_kernel(%arg0: i32, %arg1: memref<1x1x2048xf32, #tpu.memory_space<vmem>>, %arg2: memref<1x4x2048xf32, #tpu.memory_space<vmem>>, %arg3: memref<1x4x2048xf32, #tpu.memory_space<vmem>>, %arg4: memref<1x2048x4xf32, #tpu.memory_space<vmem>>, %arg5: memref<1x2048x4xf32, #tpu.memory_space<vmem>>, %arg6: memref<1x4x2048xf32, #tpu.memory_space<vmem>>, %arg7: memref<1x1x2048xf32, #tpu.memory_space<vmem>>) attributes {dimension_semantics = [#tpu.dimension_semantics<arbitrary>], iteration_bounds = array<i64: 2>, scalar_prefetch = 0 : i64, scratch_operands = 0 : i64, tpu.core_type = #tpu.core_type<tc>, window_params = [{transform_indices = @transform_0, window_bounds = array<i64: 1, 1, 2048>}, {transform_indices = @transform_1, window_bounds = array<i64: 1, 4, 2048>}, {transform_indices = @transform_2, window_bounds = array<i64: 1, 4, 2048>}, {transform_indices = @transform_3, window_bounds = array<i64: 1, 2048, 4>}, {transform_indices = @transform_4, window_bounds = array<i64: 1, 2048, 4>}, {transform_indices = @transform_5, window_bounds = array<i64: 1, 4, 2048>}, {transform_indices = @transform_6, window_bounds = array<i64: 1, 1, 2048>}]} {
    %get3A = arith.constant 0 : index
    %get3A_0 = arith.constant 0 : index
    %get3A_1 = arith.constant 0 : index
    %get3A_2 = vector.load %arg1[%get3A, %get3A_0, %get3A_1] : memref<1x1x2048xf32, #tpu.memory_space<vmem>>, vector<1x1x2048xf32>
    %get3A_3 = vector.shape_cast %get3A_2 : vector<1x1x2048xf32> to vector<1x2048xf32>
    %get3A_4 = arith.constant 0 : index
    %get3A_5 = arith.constant 0 : index
    %get3A_6 = arith.constant 0 : index
    %get3A_7 = vector.load %arg2[%get3A_4, %get3A_5, %get3A_6] : memref<1x4x2048xf32, #tpu.memory_space<vmem>>, vector<1x4x2048xf32>
    %get3A_8 = vector.shape_cast %get3A_7 : vector<1x4x2048xf32> to vector<4x2048xf32>
    %get3A_9 = arith.constant 0 : index
    %get3A_10 = arith.constant 0 : index
    %get3A_11 = arith.constant 0 : index
    %get3A_12 = vector.load %arg3[%get3A_9, %get3A_10, %get3A_11] : memref<1x4x2048xf32, #tpu.memory_space<vmem>>, vector<1x4x2048xf32>
    %get3A_13 = vector.shape_cast %get3A_12 : vector<1x4x2048xf32> to vector<4x2048xf32>
    %get3A_14 = arith.constant 0 : index
    %get3A_15 = arith.constant 0 : index
    %get3A_16 = arith.constant 0 : index
    %get3A_17 = vector.load %arg4[%get3A_14, %get3A_15, %get3A_16] : memref<1x2048x4xf32, #tpu.memory_space<vmem>>, vector<1x2048x4xf32>
    %get3A_18 = vector.shape_cast %get3A_17 : vector<1x2048x4xf32> to vector<2048x4xf32>
    %get3A_19 = arith.constant 0 : index
    %get3A_20 = arith.constant 0 : index
    %get3A_21 = arith.constant 0 : index
    %get3A_22 = vector.load %arg5[%get3A_19, %get3A_20, %get3A_21] : memref<1x2048x4xf32, #tpu.memory_space<vmem>>, vector<1x2048x4xf32>
    %get3A_23 = vector.shape_cast %get3A_22 : vector<1x2048x4xf32> to vector<2048x4xf32>
    %slice3A = vector.extract_strided_slice %get3A_13 {offsets = [0, 0], sizes = [1, 2048], strides = [1, 1]} : vector<4x2048xf32> to vector<1x2048xf32>
    %slice3A_24 = vector.extract_strided_slice %get3A_13 {offsets = [1, 0], sizes = [1, 2048], strides = [1, 1]} : vector<4x2048xf32> to vector<1x2048xf32>
    %slice3A_25 = vector.extract_strided_slice %get3A_13 {offsets = [2, 0], sizes = [1, 2048], strides = [1, 1]} : vector<4x2048xf32> to vector<1x2048xf32>
    %slice3A_26 = vector.extract_strided_slice %get3A_13 {offsets = [3, 0], sizes = [1, 2048], strides = [1, 1]} : vector<4x2048xf32> to vector<1x2048xf32>
    %slice3A_27 = vector.extract_strided_slice %get3A_8 {offsets = [0, 0], sizes = [1, 2048], strides = [1, 1]} : vector<4x2048xf32> to vector<1x2048xf32>
    %slice3A_28 = vector.extract_strided_slice %get3A_8 {offsets = [1, 0], sizes = [1, 2048], strides = [1, 1]} : vector<4x2048xf32> to vector<1x2048xf32>
    %slice3A_29 = vector.extract_strided_slice %get3A_8 {offsets = [2, 0], sizes = [1, 2048], strides = [1, 1]} : vector<4x2048xf32> to vector<1x2048xf32>
    %slice3A_30 = vector.extract_strided_slice %get3A_8 {offsets = [3, 0], sizes = [1, 2048], strides = [1, 1]} : vector<4x2048xf32> to vector<1x2048xf32>
    %sub3A = arith.subf %slice3A_25, %slice3A : vector<1x2048xf32>
    %sub3A_31 = arith.subf %slice3A_26, %slice3A_24 : vector<1x2048xf32>
    %mul3A = arith.constant 5.000000e-01 : f32
    %mul3A_32 = vector.broadcast %mul3A : f32 to vector<1x2048xf32>
    %mul3A_33 = arith.mulf %mul3A_32, %sub3A : vector<1x2048xf32>
    %add3A = arith.addf %slice3A, %mul3A_33 : vector<1x2048xf32>
    %mul3A_34 = arith.constant 5.000000e-01 : f32
    %mul3A_35 = vector.broadcast %mul3A_34 : f32 to vector<1x2048xf32>
    %mul3A_36 = arith.mulf %mul3A_35, %sub3A_31 : vector<1x2048xf32>
    %add3A_37 = arith.addf %slice3A_24, %mul3A_36 : vector<1x2048xf32>
    %min3A = arith.constant 4.13516665 : f32
    %min3A_38 = vector.broadcast %min3A : f32 to vector<1x2048xf32>
    %min3A_39 = arith.minimumf %slice3A_29, %min3A_38 : vector<1x2048xf32>
    %min3A_40 = arith.constant 4.13516665 : f32
    %min3A_41 = vector.broadcast %min3A_40 : f32 to vector<1x2048xf32>
    %min3A_42 = arith.minimumf %slice3A_30, %min3A_41 : vector<1x2048xf32>
    %mul3A_43 = arith.mulf %slice3A_27, %sub3A : vector<1x2048xf32>
    %add3A_44 = arith.addf %mul3A_43, %add3A : vector<1x2048xf32>
    %mul3A_45 = arith.mulf %slice3A_28, %sub3A_31 : vector<1x2048xf32>
    %add3A_46 = arith.addf %mul3A_45, %add3A_37 : vector<1x2048xf32>
    %exp3A = math.exp %min3A_39 : vector<1x2048xf32>
    %mul3A_47 = arith.mulf %exp3A, %sub3A : vector<1x2048xf32>
    %exp3A_48 = math.exp %min3A_42 : vector<1x2048xf32>
    %mul3A_49 = arith.mulf %exp3A_48, %sub3A_31 : vector<1x2048xf32>
    %mul3A_50 = arith.constant 5.000000e-01 : f32
    %mul3A_51 = vector.broadcast %mul3A_50 : f32 to vector<1x2048xf32>
    %mul3A_52 = arith.mulf %mul3A_51, %mul3A_47 : vector<1x2048xf32>
    %sub3A_53 = arith.subf %add3A_44, %mul3A_52 : vector<1x2048xf32>
    %jit3A = arith.constant 0.000000e+00 : f32
    %jit3A_54 = arith.constant 8.000000e+02 : f32
    %max3A = vector.broadcast %jit3A : f32 to vector<1x2048xf32>
    %max3A_55 = arith.maximumf %max3A, %sub3A_53 : vector<1x2048xf32>
    %min3A_56 = vector.broadcast %jit3A_54 : f32 to vector<1x2048xf32>
    %min3A_57 = arith.minimumf %min3A_56, %max3A_55 : vector<1x2048xf32>
    %mul3A_58 = arith.constant 5.000000e-01 : f32
    %mul3A_59 = vector.broadcast %mul3A_58 : f32 to vector<1x2048xf32>
    %mul3A_60 = arith.mulf %mul3A_59, %mul3A_49 : vector<1x2048xf32>
    %sub3A_61 = arith.subf %add3A_46, %mul3A_60 : vector<1x2048xf32>
    %jit3A_62 = arith.constant 0.000000e+00 : f32
    %jit3A_63 = arith.constant 8.000000e+02 : f32
    %max3A_64 = vector.broadcast %jit3A_62 : f32 to vector<1x2048xf32>
    %max3A_65 = arith.maximumf %max3A_64, %sub3A_61 : vector<1x2048xf32>
    %min3A_66 = vector.broadcast %jit3A_63 : f32 to vector<1x2048xf32>
    %min3A_67 = arith.minimumf %min3A_66, %max3A_65 : vector<1x2048xf32>
    %mul3A_68 = arith.constant 5.000000e-01 : f32
    %mul3A_69 = vector.broadcast %mul3A_68 : f32 to vector<1x2048xf32>
    %mul3A_70 = arith.mulf %mul3A_69, %mul3A_47 : vector<1x2048xf32>
    %add3A_71 = arith.addf %add3A_44, %mul3A_70 : vector<1x2048xf32>
    %jit3A_72 = arith.constant 0.000000e+00 : f32
    %jit3A_73 = arith.constant 8.000000e+02 : f32
    %max3A_74 = vector.broadcast %jit3A_72 : f32 to vector<1x2048xf32>
    %max3A_75 = arith.maximumf %max3A_74, %add3A_71 : vector<1x2048xf32>
    %min3A_76 = vector.broadcast %jit3A_73 : f32 to vector<1x2048xf32>
    %min3A_77 = arith.minimumf %min3A_76, %max3A_75 : vector<1x2048xf32>
    %mul3A_78 = arith.constant 5.000000e-01 : f32
    %mul3A_79 = vector.broadcast %mul3A_78 : f32 to vector<1x2048xf32>
    %mul3A_80 = arith.mulf %mul3A_79, %mul3A_49 : vector<1x2048xf32>
    %add3A_81 = arith.addf %add3A_46, %mul3A_80 : vector<1x2048xf32>
    %jit3A_82 = arith.constant 0.000000e+00 : f32
    %jit3A_83 = arith.constant 8.000000e+02 : f32
    %max3A_84 = vector.broadcast %jit3A_82 : f32 to vector<1x2048xf32>
    %max3A_85 = arith.maximumf %max3A_84, %add3A_81 : vector<1x2048xf32>
    %min3A_86 = vector.broadcast %jit3A_83 : f32 to vector<1x2048xf32>
    %min3A_87 = arith.minimumf %min3A_86, %max3A_85 : vector<1x2048xf32>
    %slice3A_88 = vector.extract_strided_slice %get3A_23 {offsets = [0, 0], sizes = [2048, 1], strides = [1, 1]} : vector<2048x4xf32> to vector<2048x1xf32>
    %slice3A_89 = vector.extract_strided_slice %get3A_23 {offsets = [0, 1], sizes = [2048, 1], strides = [1, 1]} : vector<2048x4xf32> to vector<2048x1xf32>
    %slice3A_90 = vector.extract_strided_slice %get3A_23 {offsets = [0, 2], sizes = [2048, 1], strides = [1, 1]} : vector<2048x4xf32> to vector<2048x1xf32>
    %slice3A_91 = vector.extract_strided_slice %get3A_23 {offsets = [0, 3], sizes = [2048, 1], strides = [1, 1]} : vector<2048x4xf32> to vector<2048x1xf32>
    %slice3A_92 = vector.extract_strided_slice %get3A_18 {offsets = [0, 0], sizes = [2048, 1], strides = [1, 1]} : vector<2048x4xf32> to vector<2048x1xf32>
    %slice3A_93 = vector.extract_strided_slice %get3A_18 {offsets = [0, 1], sizes = [2048, 1], strides = [1, 1]} : vector<2048x4xf32> to vector<2048x1xf32>
    %slice3A_94 = vector.extract_strided_slice %get3A_18 {offsets = [0, 2], sizes = [2048, 1], strides = [1, 1]} : vector<2048x4xf32> to vector<2048x1xf32>
    %slice3A_95 = vector.extract_strided_slice %get3A_18 {offsets = [0, 3], sizes = [2048, 1], strides = [1, 1]} : vector<2048x4xf32> to vector<2048x1xf32>
    %sub3A_96 = arith.subf %slice3A_90, %slice3A_88 : vector<2048x1xf32>
    %sub3A_97 = arith.subf %slice3A_91, %slice3A_89 : vector<2048x1xf32>
    %mul3A_98 = arith.constant 5.000000e-01 : f32
    %mul3A_99 = vector.broadcast %mul3A_98 : f32 to vector<2048x1xf32>
    %mul3A_100 = arith.mulf %mul3A_99, %sub3A_96 : vector<2048x1xf32>
    %add3A_101 = arith.addf %slice3A_88, %mul3A_100 : vector<2048x1xf32>
    %mul3A_102 = arith.constant 5.000000e-01 : f32
    %mul3A_103 = vector.broadcast %mul3A_102 : f32 to vector<2048x1xf32>
    %mul3A_104 = arith.mulf %mul3A_103, %sub3A_97 : vector<2048x1xf32>
    %add3A_105 = arith.addf %slice3A_89, %mul3A_104 : vector<2048x1xf32>
    %min3A_106 = arith.constant 4.13516665 : f32
    %min3A_107 = vector.broadcast %min3A_106 : f32 to vector<2048x1xf32>
    %min3A_108 = arith.minimumf %slice3A_94, %min3A_107 : vector<2048x1xf32>
    %min3A_109 = arith.constant 4.13516665 : f32
    %min3A_110 = vector.broadcast %min3A_109 : f32 to vector<2048x1xf32>
    %min3A_111 = arith.minimumf %slice3A_95, %min3A_110 : vector<2048x1xf32>
    %mul3A_112 = arith.mulf %slice3A_92, %sub3A_96 : vector<2048x1xf32>
    %add3A_113 = arith.addf %mul3A_112, %add3A_101 : vector<2048x1xf32>
    %mul3A_114 = arith.mulf %slice3A_93, %sub3A_97 : vector<2048x1xf32>
    %add3A_115 = arith.addf %mul3A_114, %add3A_105 : vector<2048x1xf32>
    %exp3A_116 = math.exp %min3A_108 : vector<2048x1xf32>
    %mul3A_117 = arith.mulf %exp3A_116, %sub3A_96 : vector<2048x1xf32>
    %exp3A_118 = math.exp %min3A_111 : vector<2048x1xf32>
    %mul3A_119 = arith.mulf %exp3A_118, %sub3A_97 : vector<2048x1xf32>
    %mul3A_120 = arith.constant 5.000000e-01 : f32
    %mul3A_121 = vector.broadcast %mul3A_120 : f32 to vector<2048x1xf32>
    %mul3A_122 = arith.mulf %mul3A_121, %mul3A_117 : vector<2048x1xf32>
    %sub3A_123 = arith.subf %add3A_113, %mul3A_122 : vector<2048x1xf32>
    %jit3A_124 = arith.constant 0.000000e+00 : f32
    %jit3A_125 = arith.constant 8.000000e+02 : f32
    %max3A_126 = vector.broadcast %jit3A_124 : f32 to vector<2048x1xf32>
    %max3A_127 = arith.maximumf %max3A_126, %sub3A_123 : vector<2048x1xf32>
    %min3A_128 = vector.broadcast %jit3A_125 : f32 to vector<2048x1xf32>
    %min3A_129 = arith.minimumf %min3A_128, %max3A_127 : vector<2048x1xf32>
    %mul3A_130 = arith.constant 5.000000e-01 : f32
    %mul3A_131 = vector.broadcast %mul3A_130 : f32 to vector<2048x1xf32>
    %mul3A_132 = arith.mulf %mul3A_131, %mul3A_119 : vector<2048x1xf32>
    %sub3A_133 = arith.subf %add3A_115, %mul3A_132 : vector<2048x1xf32>
    %jit3A_134 = arith.constant 0.000000e+00 : f32
    %jit3A_135 = arith.constant 8.000000e+02 : f32
    %max3A_136 = vector.broadcast %jit3A_134 : f32 to vector<2048x1xf32>
    %max3A_137 = arith.maximumf %max3A_136, %sub3A_133 : vector<2048x1xf32>
    %min3A_138 = vector.broadcast %jit3A_135 : f32 to vector<2048x1xf32>
    %min3A_139 = arith.minimumf %min3A_138, %max3A_137 : vector<2048x1xf32>
    %mul3A_140 = arith.constant 5.000000e-01 : f32
    %mul3A_141 = vector.broadcast %mul3A_140 : f32 to vector<2048x1xf32>
    %mul3A_142 = arith.mulf %mul3A_141, %mul3A_117 : vector<2048x1xf32>
    %add3A_143 = arith.addf %add3A_113, %mul3A_142 : vector<2048x1xf32>
    %jit3A_144 = arith.constant 0.000000e+00 : f32
    %jit3A_145 = arith.constant 8.000000e+02 : f32
    %max3A_146 = vector.broadcast %jit3A_144 : f32 to vector<2048x1xf32>
    %max3A_147 = arith.maximumf %max3A_146, %add3A_143 : vector<2048x1xf32>
    %min3A_148 = vector.broadcast %jit3A_145 : f32 to vector<2048x1xf32>
    %min3A_149 = arith.minimumf %min3A_148, %max3A_147 : vector<2048x1xf32>
    %mul3A_150 = arith.constant 5.000000e-01 : f32
    %mul3A_151 = vector.broadcast %mul3A_150 : f32 to vector<2048x1xf32>
    %mul3A_152 = arith.mulf %mul3A_151, %mul3A_119 : vector<2048x1xf32>
    %add3A_153 = arith.addf %add3A_115, %mul3A_152 : vector<2048x1xf32>
    %jit3A_154 = arith.constant 0.000000e+00 : f32
    %jit3A_155 = arith.constant 8.000000e+02 : f32
    %max3A_156 = vector.broadcast %jit3A_154 : f32 to vector<2048x1xf32>
    %max3A_157 = arith.maximumf %max3A_156, %add3A_153 : vector<2048x1xf32>
    %min3A_158 = vector.broadcast %jit3A_155 : f32 to vector<2048x1xf32>
    %min3A_159 = arith.minimumf %min3A_158, %max3A_157 : vector<2048x1xf32>
    %sub3A_160 = arith.subf %min3A_77, %min3A_57 : vector<1x2048xf32>
    %sub3A_161 = arith.subf %min3A_87, %min3A_67 : vector<1x2048xf32>
    %mul3A_162 = arith.mulf %sub3A_160, %sub3A_161 : vector<1x2048xf32>
    %sub3A_163 = arith.subf %min3A_149, %min3A_129 : vector<2048x1xf32>
    %sub3A_164 = arith.subf %min3A_159, %min3A_139 : vector<2048x1xf32>
    %mul3A_165 = arith.mulf %sub3A_163, %sub3A_164 : vector<2048x1xf32>
    %iota3A = tpu.iota {dimensions = array<i32: 1>} : vector<1x2048xi32>
    %lt3A = arith.constant 2000 : i32
    %lt3A_166 = vector.broadcast %lt3A : i32 to vector<1x2048xi32>
    %lt3A_167 = arith.cmpi slt, %iota3A, %lt3A_166 : vector<1x2048xi32>
    %ge3A = arith.constant 0.000000e+00 : f32
    %ge3A_168 = vector.broadcast %ge3A : f32 to vector<1x2048xf32>
    %ge3A_169 = arith.cmpf oge, %sub3A_160, %ge3A_168 : vector<1x2048xf32>
    %and3A = arith.andi %lt3A_167, %ge3A_169 : vector<1x2048xi1>
    %ge3A_170 = arith.constant 0.000000e+00 : f32
    %ge3A_171 = vector.broadcast %ge3A_170 : f32 to vector<1x2048xf32>
    %ge3A_172 = arith.cmpf oge, %sub3A_161, %ge3A_171 : vector<1x2048xf32>
    %and3A_173 = arith.andi %and3A, %ge3A_172 : vector<1x2048xi1>
    %jit3A_174 = arith.constant 1.000000e+00 : f32
    %jit3A_175 = arith.constant 0.000000e+00 : f32
    %broadcast_in_dim3A = vector.broadcast %jit3A_174 : f32 to vector<1x2048xf32>
    %broadcast_in_dim3A_176 = vector.broadcast %jit3A_175 : f32 to vector<1x2048xf32>
    %select_n3A = arith.select %and3A_173, %broadcast_in_dim3A, %broadcast_in_dim3A_176 : vector<1x2048xi1>, vector<1x2048xf32>
    %min3A_177 = vector.broadcast %min3A_149 : vector<2048x1xf32> to vector<2048x2048xf32>
    %min3A_178 = vector.broadcast %min3A_77 : vector<1x2048xf32> to vector<2048x2048xf32>
    %min3A_179 = arith.minimumf %min3A_177, %min3A_178 : vector<2048x2048xf32>
    %max3A_180 = vector.broadcast %min3A_129 : vector<2048x1xf32> to vector<2048x2048xf32>
    %max3A_181 = vector.broadcast %min3A_57 : vector<1x2048xf32> to vector<2048x2048xf32>
    %max3A_182 = arith.maximumf %max3A_180, %max3A_181 : vector<2048x2048xf32>
    %sub3A_183 = arith.subf %min3A_179, %max3A_182 : vector<2048x2048xf32>
    %max3A_184 = arith.constant 0.000000e+00 : f32
    %max3A_185 = vector.broadcast %max3A_184 : f32 to vector<2048x2048xf32>
    %max3A_186 = arith.maximumf %sub3A_183, %max3A_185 : vector<2048x2048xf32>
    %min3A_187 = vector.broadcast %min3A_159 : vector<2048x1xf32> to vector<2048x2048xf32>
    %min3A_188 = vector.broadcast %min3A_87 : vector<1x2048xf32> to vector<2048x2048xf32>
    %min3A_189 = arith.minimumf %min3A_187, %min3A_188 : vector<2048x2048xf32>
    %max3A_190 = vector.broadcast %min3A_139 : vector<2048x1xf32> to vector<2048x2048xf32>
    %max3A_191 = vector.broadcast %min3A_67 : vector<1x2048xf32> to vector<2048x2048xf32>
    %max3A_192 = arith.maximumf %max3A_190, %max3A_191 : vector<2048x2048xf32>
    %sub3A_193 = arith.subf %min3A_189, %max3A_192 : vector<2048x2048xf32>
    %max3A_194 = arith.constant 0.000000e+00 : f32
    %max3A_195 = vector.broadcast %max3A_194 : f32 to vector<2048x2048xf32>
    %max3A_196 = arith.maximumf %sub3A_193, %max3A_195 : vector<2048x2048xf32>
    %mul3A_197 = arith.mulf %max3A_186, %max3A_196 : vector<2048x2048xf32>
    %add3A_198 = vector.broadcast %mul3A_165 : vector<2048x1xf32> to vector<2048x2048xf32>
    %add3A_199 = vector.broadcast %mul3A_162 : vector<1x2048xf32> to vector<2048x2048xf32>
    %add3A_200 = arith.addf %add3A_198, %add3A_199 : vector<2048x2048xf32>
    %sub3A_201 = arith.subf %add3A_200, %mul3A_197 : vector<2048x2048xf32>
    %max3A_202 = arith.constant 9.99999971E-10 : f32
    %max3A_203 = vector.broadcast %max3A_202 : f32 to vector<2048x2048xf32>
    %max3A_204 = arith.maximumf %sub3A_201, %max3A_203 : vector<2048x2048xf32>
    %div3A = arith.divf %mul3A_197, %max3A_204 : vector<2048x2048xf32>
    %iota3A_205 = tpu.iota {dimensions = array<i32: 0>} : vector<2048x2048xi32>
    %iota3A_206 = tpu.iota {dimensions = array<i32: 1>} : vector<2048x2048xi32>
    %gt3A = arith.constant 0.699999988 : f32
    %gt3A_207 = vector.broadcast %gt3A : f32 to vector<2048x2048xf32>
    %gt3A_208 = arith.cmpf ogt, %div3A, %gt3A_207 : vector<2048x2048xf32>
    %lt3A_209 = arith.cmpi slt, %iota3A_205, %iota3A_206 : vector<2048x2048xi32>
    %and3A_210 = arith.andi %gt3A_208, %lt3A_209 : vector<2048x2048xi1>
    %jit3A_211 = arith.constant 1.000000e+00 : f32
    %jit3A_212 = arith.constant 0.000000e+00 : f32
    %broadcast_in_dim3A_213 = vector.broadcast %jit3A_211 : f32 to vector<2048x2048xf32>
    %broadcast_in_dim3A_214 = vector.broadcast %jit3A_212 : f32 to vector<2048x2048xf32>
    %select_n3A_215 = arith.select %and3A_210, %broadcast_in_dim3A_213, %broadcast_in_dim3A_214 : vector<2048x2048xi1>, vector<2048x2048xf32>
    %while3A = arith.constant true
    %while3A_216:2 = scf.while (%while3A_252 = %select_n3A, %while3A_253 = %while3A) : (vector<1x2048xf32>, i1) -> (vector<1x2048xf32>, i1) {
      scf.condition(%while3A_253) %while3A_252, %while3A_253 : vector<1x2048xf32>, i1
    } do {
    ^bb0(%while3A_252: vector<1x2048xf32>, %while3A_253: i1):
      %dot_general3A = arith.constant dense<0.000000e+00> : vector<1x2048xf32>
      %dot_general3A_254 = tpu.matmul %while3A_252, %select_n3A_215, %dot_general3A {dimension_numbers = #tpu.dot_dimension_numbers<[1], [0], [0], [1], [0, 0, 1, 1], [], []>, transpose_lhs_hint = false} : vector<1x2048xf32>, vector<2048x2048xf32>, vector<1x2048xf32> -> vector<1x2048xf32>
      %gt3A_255 = arith.constant 0.000000e+00 : f32
      %gt3A_256 = vector.broadcast %gt3A_255 : f32 to vector<1x2048xf32>
      %gt3A_257 = arith.cmpf ogt, %dot_general3A_254, %gt3A_256 : vector<1x2048xf32>
      %jit3A_258 = arith.constant 0.000000e+00 : f32
      %broadcast_in_dim3A_259 = vector.broadcast %jit3A_258 : f32 to vector<1x2048xf32>
      %select_n3A_260 = arith.select %gt3A_257, %broadcast_in_dim3A_259, %select_n3A : vector<1x2048xi1>, vector<1x2048xf32>
      %ne3A = arith.cmpf one, %select_n3A_260, %while3A_252 : vector<1x2048xf32>
      %reduce_or3A = arith.constant 1.000000e+00 : f32
      %reduce_or3A_261 = arith.constant 0.000000e+00 : f32
      %reduce_or3A_262 = vector.broadcast %reduce_or3A : f32 to vector<1x2048xf32>
      %reduce_or3A_263 = vector.broadcast %reduce_or3A_261 : f32 to vector<1x2048xf32>
      %reduce_or3A_264 = arith.select %ne3A, %reduce_or3A_262, %reduce_or3A_263 : vector<1x2048xi1>, vector<1x2048xf32>
      %reduce_or3A_265 = vector.shape_cast %reduce_or3A_264 : vector<1x2048xf32> to vector<1x1x2048xf32>
      %reduce_or3A_266 = arith.constant dense<0xFF800000> : vector<1xf32>
      %reduce_or3A_267 = vector.multi_reduction <maximumf>, %reduce_or3A_265, %reduce_or3A_266 [1, 2] : vector<1x1x2048xf32> to vector<1xf32>
      %reduce_or3A_268 = vector.shape_cast %reduce_or3A_267 : vector<1xf32> to vector<1x1x1xf32>
      %reduce_or3A_269 = vector.extract %reduce_or3A_268[0, 0, 0] : f32 from vector<1x1x1xf32>
      %reduce_or3A_270 = arith.constant 0.000000e+00 : f32
      %reduce_or3A_271 = arith.cmpf ogt, %reduce_or3A_269, %reduce_or3A_270 : f32
      scf.yield %select_n3A_260, %reduce_or3A_271 : vector<1x2048xf32>, i1
    }
    %swap3A = arith.constant 0 : index
    %swap3A_217 = arith.constant 0 : index
    %swap3A_218 = arith.constant 0 : index
    %swap3A_219 = vector.load %arg6[%swap3A, %swap3A_217, %swap3A_218] : memref<1x4x2048xf32, #tpu.memory_space<vmem>>, vector<1x1x2048xf32>
    %swap3A_220 = vector.shape_cast %swap3A_219 : vector<1x1x2048xf32> to vector<1x2048xf32>
    %swap3A_221 = vector.shape_cast %min3A_57 : vector<1x2048xf32> to vector<1x1x2048xf32>
    tpu.vector_store %arg6[%swap3A, %swap3A_217, %swap3A_218], %swap3A_221 {strides = array<i32>} : memref<1x4x2048xf32, #tpu.memory_space<vmem>>, vector<1x1x2048xf32>,
    %swap3A_222 = arith.constant 0 : index
    %swap3A_223 = arith.constant 1 : index
    %swap3A_224 = arith.constant 0 : index
    %swap3A_225 = vector.load %arg6[%swap3A_222, %swap3A_223, %swap3A_224] : memref<1x4x2048xf32, #tpu.memory_space<vmem>>, vector<1x1x2048xf32>
    %swap3A_226 = vector.shape_cast %swap3A_225 : vector<1x1x2048xf32> to vector<1x2048xf32>
    %swap3A_227 = vector.shape_cast %min3A_67 : vector<1x2048xf32> to vector<1x1x2048xf32>
    tpu.vector_store %arg6[%swap3A_222, %swap3A_223, %swap3A_224], %swap3A_227 {strides = array<i32>} : memref<1x4x2048xf32, #tpu.memory_space<vmem>>, vector<1x1x2048xf32>,
    %swap3A_228 = arith.constant 0 : index
    %swap3A_229 = arith.constant 2 : index
    %swap3A_230 = arith.constant 0 : index
    %swap3A_231 = vector.load %arg6[%swap3A_228, %swap3A_229, %swap3A_230] : memref<1x4x2048xf32, #tpu.memory_space<vmem>>, vector<1x1x2048xf32>
    %swap3A_232 = vector.shape_cast %swap3A_231 : vector<1x1x2048xf32> to vector<1x2048xf32>
    %swap3A_233 = vector.shape_cast %min3A_77 : vector<1x2048xf32> to vector<1x1x2048xf32>
    tpu.vector_store %arg6[%swap3A_228, %swap3A_229, %swap3A_230], %swap3A_233 {strides = array<i32>} : memref<1x4x2048xf32, #tpu.memory_space<vmem>>, vector<1x1x2048xf32>,
    %swap3A_234 = arith.constant 0 : index
    %swap3A_235 = arith.constant 3 : index
    %swap3A_236 = arith.constant 0 : index
    %swap3A_237 = vector.load %arg6[%swap3A_234, %swap3A_235, %swap3A_236] : memref<1x4x2048xf32, #tpu.memory_space<vmem>>, vector<1x1x2048xf32>
    %swap3A_238 = vector.shape_cast %swap3A_237 : vector<1x1x2048xf32> to vector<1x2048xf32>
    %swap3A_239 = vector.shape_cast %min3A_87 : vector<1x2048xf32> to vector<1x1x2048xf32>
    tpu.vector_store %arg6[%swap3A_234, %swap3A_235, %swap3A_236], %swap3A_239 {strides = array<i32>} : memref<1x4x2048xf32, #tpu.memory_space<vmem>>, vector<1x1x2048xf32>,
    %gt3A_240 = arith.constant 0.000000e+00 : f32
    %gt3A_241 = vector.broadcast %gt3A_240 : f32 to vector<1x2048xf32>
    %gt3A_242 = arith.cmpf ogt, %while3A_216#0, %gt3A_241 : vector<1x2048xf32>
    %jit3A_243 = arith.constant 0xFF800000 : f32
    %broadcast_in_dim3A_244 = vector.broadcast %jit3A_243 : f32 to vector<1x2048xf32>
    %select_n3A_245 = arith.select %gt3A_242, %get3A_3, %broadcast_in_dim3A_244 : vector<1x2048xi1>, vector<1x2048xf32>
    %swap3A_246 = arith.constant 0 : index
    %swap3A_247 = arith.constant 0 : index
    %swap3A_248 = arith.constant 0 : index
    %swap3A_249 = vector.load %arg7[%swap3A_246, %swap3A_247, %swap3A_248] : memref<1x1x2048xf32, #tpu.memory_space<vmem>>, vector<1x1x2048xf32>
    %swap3A_250 = vector.shape_cast %swap3A_249 : vector<1x1x2048xf32> to vector<1x2048xf32>
    %swap3A_251 = vector.shape_cast %select_n3A_245 : vector<1x2048xf32> to vector<1x1x2048xf32>
    tpu.vector_store %arg7[%swap3A_246, %swap3A_247, %swap3A_248], %swap3A_251 {strides = array<i32>} : memref<1x1x2048xf32, #tpu.memory_space<vmem>>, vector<1x1x2048xf32>,
    return
  }
  func.func @transform_0(%arg0: i32) -> (i32, i32, i32) {
    %c0_i32 = arith.constant 0 : i32
    %c0_i32_0 = arith.constant 0 : i32
    %c0_i32_1 = arith.constant 0 : i32
    return %arg0, %c0_i32, %c0_i32_0 : i32, i32, i32
  }
  func.func @transform_1(%arg0: i32) -> (i32, i32, i32) {
    %c0_i32 = arith.constant 0 : i32
    %c0_i32_0 = arith.constant 0 : i32
    %c0_i32_1 = arith.constant 0 : i32
    return %arg0, %c0_i32, %c0_i32_0 : i32, i32, i32
  }
  func.func @transform_2(%arg0: i32) -> (i32, i32, i32) {
    %c0_i32 = arith.constant 0 : i32
    %c0_i32_0 = arith.constant 0 : i32
    %c0_i32_1 = arith.constant 0 : i32
    return %arg0, %c0_i32, %c0_i32_0 : i32, i32, i32
  }
  func.func @transform_3(%arg0: i32) -> (i32, i32, i32) {
    %c0_i32 = arith.constant 0 : i32
    %c0_i32_0 = arith.constant 0 : i32
    %c0_i32_1 = arith.constant 0 : i32
    return %arg0, %c0_i32, %c0_i32_0 : i32, i32, i32
  }
  func.func @transform_4(%arg0: i32) -> (i32, i32, i32) {
    %c0_i32 = arith.constant 0 : i32
    %c0_i32_0 = arith.constant 0 : i32
    %c0_i32_1 = arith.constant 0 : i32
    return %arg0, %c0_i32, %c0_i32_0 : i32, i32, i32
  }
  func.func @transform_5(%arg0: i32) -> (i32, i32, i32) {
    %c0_i32 = arith.constant 0 : i32
    %c0_i32_0 = arith.constant 0 : i32
    %c0_i32_1 = arith.constant 0 : i32
    return %arg0, %c0_i32, %c0_i32_0 : i32, i32, i32
  }
  func.func @transform_6(%arg0: i32) -> (i32, i32, i32) {
    %c0_i32 = arith.constant 0 : i32
    %c0_i32_0 = arith.constant 0 : i32
    %c0_i32_1 = arith.constant 0 : i32
    return %arg0, %c0_i32, %c0_i32_0 : i32, i32, i32
  }
}

</mosaic_0001>

<sc_bundles>
// kernel: gather_offload_async_start.1
scs
__scs_entry_jumppad:
0x0: {  	(pc) =	sbr.rel $0x88, $3  }
0x1: {  	(tag) =	ssettag $0x0;
	lr =	simm.s32 $0x1  }
0x2: {  	[smem:$0x3F9E] =	sst lr;
	_ =	strace $0xD0000000  }
0x3: {  	_ = 	snop  }
0x4: {  	_ = 	snop  }
0x5: {  	_ = 	snop  }
0x6: {  	_ = 	snop  }
0x7: {  	_ = 	snop  }
__scs_overlays_trampoline_lowered:
0x8: {  	[smem:$0x3FAD] =	sst s0  }
0x9: {  	[smem:$0x3FAE] =	sst s1  }
0xa: {  	[smem:$0x3FAF] =	sst s2  }
0xb: {  	[smem:$0x3FB0] =	sst s3  }
0xc: {  	[smem:$0x3FB1] =	sst s4  }
0xd: {  	[smem:$0x3FB2] =	sst s5  }
0xe: {  	[smem:$0x3FB3] =	sst s6  }
0xf: {  	[smem:$0x3FB4] =	sst s7  }
0x10: {  	[smem:$0x3FB5] =	sst s8  }
0x11: {  	[smem:$0x3FB6] =	sst s9;
	s0 =	simm.s32 @!p0 $0x0  }
0x12: {  	s1 =	sld [smem:$0x3F9C];
	s0 =	simm.s32 @p0 $0x1  }
0x13: {  	[smem:$0x3FB7] =	sst s0;
	s0 =	simm.s32 @!p1 $0x0  }
0x14: {  	s2 =	sld [smem:$0x3F9B];
	s0 =	simm.s32 @p1 $0x1  }
0x15: {  	[smem:$0x3FB8] =	sst s0;
	s0 =	simm.s32 @!p2 $0x0  }
0x16: {  	s3 =	sld [smem:$0x3FDB];
	s0 =	simm.s32 @p2 $0x1  }
0x17: {  	s4 =	simm.s32 $0x1BF5;
	[smem:$0x3FBA] =	sst s0  }
0x18: {  	s0 =	sld [smem:$0x3F9D];
	_ =	swait.ge [sflag:s4], $0x0  }
0x19: {  	s7 =	sld [smem:$0x3F9E]  }
0x1a: {  	s8 =	sadd.s32 $0xFFFFE003, lr  }
0x1b: {  	s9 =	sadd.s32 $0xFFFFFEF7, lr;
	s5 =	simm.s32 $0xFFFFFFFF;
	p2 =	slt.u32 s8, $0xFFFFF086  }
0x1c: {  	p1 =	slt.u32 s9, $0xF7A;
	s5 =	simm.s32 @!p2 $0x0  }
0x1d: {  	s5 =	simm.s32 @p1 $0x1;
	p0 =	seq.s32 s7, s2  }
0x1e: {  	s7 =	smul.u32 @!p0 $0xF7A, s2;
	p2 =	seq.s32 @!p0 s5, $0x0  }
0x1f: {  	s9 =	smul.u32 $0xF7A, s1;
	s8 =	simm.s32 @!p0 $0x1BF5;
	p2 =	por !p2, p0  }
0x20: {  	[sflag:s8] =	ssyncset.s32 @!p0 $0xFFFFF086;
	s6 =	sadd.s32 @!p0 s3, s7;
	s7 =	simm.s32 @!p0 $0x108  }
0x21: {  	s3 =	sadd.s32 s3, s9;
	s6 =	sadd.s32 @!p0 $0x88, s6;
	s7 =	simm.s32 @p2 $0x1082  }
0x22: {  	[simem:s7], [sflag:s8] =	dma.local @!p0 [hbm:s6], $0xF7A  }
0x23: {  	s9 =	sor.u32 $0xD0000000, s2;
	s6 =	simm.s32 $0x108;
	_ =	swait.ge @!p0 [sflag:s8], $0x0  }
0x24: {  	s3 =	sadd.s32 $0x88, s3;
	s6 =	simm.s32 @!p1 $0x1082;
	[sflag:s4] =	ssyncset.s32 $0xFFFFF086  }
0x25: {  	[simem:s6], [sflag:s4] =	dma.local [hbm:s3], $0xF7A  }
0x26: {  	[smem:$0x3F9E] =	sst s1;
	(tag) =	ssettag s2;
	_ =	strace s9  }
0x27: {  	s1 =	sld [smem:$0x3FAE]  }
0x28: {  	s2 =	sld [smem:$0x3FAF]  }
0x29: {  	s4 =	sld [smem:$0x3FB1]  }
0x2a: {  	p0 =	seq.s32 s5, $0x0;
	s5 =	sld [smem:$0x3FB2]  }
0x2b: {  	s6 =	sld [smem:$0x3FB3]  }
0x2c: {  	s7 =	sld [smem:$0x3FB4]  }
0x2d: {  	s3 =	simm.s32 $0x108;
	s8 =	sld [smem:$0x3FB5]  }
0x2e: {  	s3 =	simm.s32 @!p0 $0x1082;
	s9 =	sld [smem:$0x3FB6]  }
0x2f: {  	lr =	sadd.s32 s0, s3;
	s0 =	sld [smem:$0x3FAD]  }
0x30: {  	s3 =	sld [smem:$0x3FB0]  }
0x31: {  	[smem:$0x3FB9] =	sst s10  }
0x32: {  	s10 =	sld [smem:$0x3FB7];
	_ =	sdelay $0x3  }
0x33: {  	p0 =	seq.s32 s10, $0x1;
	s10 =	sld [smem:$0x3FB9];
	_ =	sdelay $0x3  }
0x34: {  	[smem:$0x3FB9] =	sst s10  }
0x35: {  	s10 =	sld [smem:$0x3FB8];
	_ =	sdelay $0x3  }
0x36: {  	p1 =	seq.s32 s10, $0x1;
	s10 =	sld [smem:$0x3FB9];
	_ =	sdelay $0x3  }
0x37: {  	[smem:$0x3FB9] =	sst s10  }
0x38: {  	s10 =	sld [smem:$0x3FBA]  }
0x39: {  	_ = 	snop;
	(pc) =	sbr.ind lr, $3  }
0x3a: {  	_ = 	snop  }
0x3b: {  	_ = 	snop  }
0x3c: {  	p2 =	seq.s32 s10, $0x1;
	s10 =	sld [smem:$0x3FB9]  }
0x3d: {  	_ =	shalt  }
0x3e: {  	_ =	shalt  }
0x3f: {  	_ =	shalt  }
0x40: {  	_ =	shalt  }
0x41: {  	_ =	shalt  }
0x42: {  	_ =	shalt  }
0x43: {  	_ =	shalt  }
0x44: {  	_ =	shalt  }
0x45: {  	_ =	shalt  }
0x46: {  	_ =	shalt  }
0x47: {  	_ =	shalt  }
0x48: {  	_ =	shalt  }
0x49: {  	_ =	shalt  }
0x4a: {  	_ =	shalt  }
0x4b: {  	_ =	shalt  }
0x4c: {  	_ =	shalt  }
0x4d: {  	_ =	shalt  }
0x4e: {  	_ =	shalt  }
0x4f: {  	_ =	shalt  }
0x50: {  	_ =	shalt  }
0x51: {  	_ =	shalt  }
0x52: {  	_ =	shalt  }
0x53: {  	_ =	shalt  }
0x54: {  	_ =	shalt  }
0x55: {  	_ =	shalt  }
0x56: {  	_ =	shalt  }
0x57: {  	_ =	shalt  }
0x58: {  	_ =	shalt  }
0x59: {  	_ =	shalt  }
0x5a: {  	_ =	shalt  }
0x5b: {  	_ =	shalt  }
0x5c: {  	_ =	shalt  }
0x5d: {  	_ =	shalt  }
0x5e: {  	_ =	shalt  }
0x5f: {  	_ =	shalt  }
0x60: {  	_ =	shalt  }
0x61: {  	_ =	shalt  }
0x62: {  	_ =	shalt  }
0x63: {  	_ =	shalt  }
0x64: {  	_ =	shalt  }
0x65: {  	_ =	shalt  }
0x66: {  	_ =	shalt  }
0x67: {  	_ =	shalt  }
0x68: {  	_ =	shalt  }
0x69: {  	_ =	shalt  }
0x6a: {  	_ =	shalt  }
0x6b: {  	_ =	shalt  }
0x6c: {  	_ =	shalt  }
0x6d: {  	_ =	shalt  }
0x6e: {  	_ =	shalt  }
0x6f: {  	_ =	shalt  }
0x70: {  	_ =	shalt  }
0x71: {  	_ =	shalt  }
0x72: {  	_ =	shalt  }
0x73: {  	_ =	shalt  }
0x74: {  	_ =	shalt  }
0x75: {  	_ =	shalt  }
0x76: {  	_ =	shalt  }
0x77: {  	_ =	shalt  }
0x78: {  	_ =	shalt  }
0x79: {  	_ =	shalt  }
0x7a: {  	_ =	shalt  }
0x7b: {  	_ =	shalt  }
0x7c: {  	_ =	shalt  }
0x7d: {  	_ =	shalt  }
0x7e: {  	_ =	shalt  }
0x7f: {  	_ =	shalt  }
0x80: {  	_ =	shalt  }
0x81: {  	_ =	shalt  }
0x82: {  	_ =	shalt  }
0x83: {  	_ =	shalt  }
0x84: {  	_ =	shalt  }
0x85: {  	_ =	shalt  }
0x86: {  	_ =	shalt  }
0x87: {  	_ =	shalt  }
.Lfunc_end0:
.L_simem_size_0:
called_computation.1_lowered:
.L_overlay_start_0:
0x88: {  	s2 =	sld [smem:$0x3FD9]  }
0x89: {  	s3 =	sld [smem:$0x3FFE];
	_ =	sdelay $0x1  }
0x8a: {  	s1 =	srdreg.scid  }
0x8b: {  	s0 =	sand.u32 $0x1, s1  }
0x8c: {  	s16 =	sshll.u32 s0, $0xA;
	s2 =	sadd.s32 s3, s2  }
0x8d: {  	s2 =	sadd.s32 s2, s16  }
0x8e: {  	[smem:$0x3FC5] =	sst s2  }
0x8f: {  	_ = 	snop  }
0x90: {  	(tm) =	ssettm $0x1  }
0x91: {  	s17 =	sld [smem:$0x3FFB];
	_ =	sdelay $0x3  }
0x92: {  	_ =	strace s17  }
0x93: {  	s2 =	sld [smem:$0x3FFC];
	_ =	sdelay $0x3  }
0x94: {  	_ =	strace s2  }
0x95: {  	s2 =	sld [smem:$0x3FFD];
	_ =	sdelay $0x3  }
0x96: {  	_ =	strace s2  }
0x97: {  	_ =	strace $0x8FFFFFFF  }
0x98: {  	s18 =	sld [smem:$0x3FDB];
	_ =	sdelay $0x1  }
0x99: {  	s19 =	simm.s32 $_scs_section_size  }
0x9a: {  	s4 =	simm.s32 $_size__tile_overlayer_lowered;
	s5 =	simm.s32 $_tile_overlayer_lowered  }
0x9b: {  	s22 =	simm.s32 $0x1BFF;
	s21 =	sshll.u32 s5, $0x1;
	s2 =	sadd.s32 s19, s18  }
0x9c: {  	s6 =	simm.s32 $0x0;
	s20 =	sshll.u32 s4, $0x1;
	s4 =	sadd.s32 s21, s2  }
0x9d: {  	[timem:s6], [sflag:s22] =	dma.local [hbm:s4], s20  }
0x9e: {  	_ =	swait.ge [sflag:s22], s20  }
0x9f: {  	s3 =	ssub.s32 $0x0, s20;
	[sflag:s22] =	ssyncset.done $0x0  }
0xa0: {  	[sflag:s22] =	ssyncadd.s32 s3;
	_ =	sdelay $0x1  }
0xa1: {  	s23 =	simm.s32 $0x1B8B  }
0xa2: {  	_ =	swait.ge [sflag:s23], $0x1  }
0xa3: {  	[sflag:s23] =	ssyncset.done $0x0  }
0xa4: {  	s25 =	simm.s32 $0x1B8E;
	s24 =	sld [smem:$0x3FFE];
	[sflag:s23] =	ssyncadd.s32 $0xFFFFFFFF  }
0xa5: {  	s26 =	simm.s32 $execute0_lowered;
	[smem:$0x3FD2] =	sst s25  }
0xa6: {  	s4 =	sshll.u32 s26, $0x1;
	_ =	strace $0x80000046;
	[dreg:$0x1] =	wrdreg $0xFFFFFFFF  }
0xa7: {  	s28 =	simm.s32 $_size_execute0_lowered;
	s2 =	sadd.s32 s2, s4;
	[dreg:$0x0] =	wrdreg $0x0  }
0xa8: {  	s4 =	sshll.u32 s28, $0x1;
	[dreg:$0x2] =	wrdreg s2  }
0xa9: {  	[dreg:$0x3] =	wrdreg s4  }
0xaa: {  	[dreg:$0x4] =	wrdreg $0xC0  }
0xab: {  	_ =	task [dreg:s6], $0x5FFFF  }
0xac: {  	[dreg:$0x1] =	wrdreg $0xFFFFFFFF  }
0xad: {  	[dreg:$0x0] =	wrdreg $0x60  }
0xae: {  	[dreg:$0x2] =	wrdreg s24  }
0xaf: {  	[dreg:$0x3] =	wrdreg $0xA  }
0xb0: {  	_ =	task.clear_ibuf [dreg:s6], $0x4FFFF;
	_ =	strace $0x90000046  }
0xb1: {  	s29 =	simm.s32 $0xA;
	_ =	strace $0x80000048  }
0xb2: {  	_ =	swait.ge [sflag:s29], $0x1  }
0xb3: {  	[sflag:s29] =	ssyncadd.s32 $0xFFFFFFFF  }
0xb4: {  	_ =	strace $0x90000048  }
0xb5: {  	_ =	sfence  }
0xb6: {  	s30 =	sld [smem:$0x0];
	_ =	sdelay $0x2  }
0xb7: {  	s31 =	sshll.u32 s1, $0xD;
	s1 =	sshrl.u32 s1, $0x2  }
0xb8: {  	s3 =	sand.u32 $0x4000, s31;
	s1 =	sadd.s32 s1, s30  }
0xb9: {  	s0 =	sor.u32 s3, s0;
	s1 =	sshll.u32 s1, $0x11  }
0xba: {  	s0 =	sor.u32 s1, s0  }
0xbb: {  	s0 =	sadd.s32 $0x8F2B, s0  }
0xbc: {  	[sflag:s0] =	ssyncadd.remote.s32 $0x1  }
0xbd: {  	_ =	sfence.sel $0xFFFF  }
0xbe: {  	[dreg:$0x0] =	wrdreg $0xFFFFFFFF;
	(pc) =	sbr.abs _section_cstart, $3  }
0xbf: {  	[dreg:$0x1] =	wrdreg $0xFFFFFFFF  }
0xc0: {  	_ =	task.clear_ibuf [dreg:s6], $0x2FFFF;
	_ =	strace $0x9FFFFFFF  }
0xc1: {  	(tm) =	ssettm $0x7FFFFFFF  }
tec
execute0_lowered:
.L_overlay_start_1:
0x0: {  	(tag) =	ssettag $0x1  }
0x1: {  	s0 =	srdreg.scid  }
0x2: {  	s1 =	sshll.u32 s0, $0x4  }
0x3: {  	s0 =	stileid.u32;
	s1 =	sand.u32 $0x10, s1  }
0x4: {  	s1 =	sor.u32 s0, s1  }
0x5: {  	s2 =	smin.u32 s1, $0x12  }
0x6: {  	s2 =	sadd.s32 s1, s2  }
0x7: {  	p0 =	slt.u32 s1, $0x12;
	s1 =	simm.s32 $0xA0;
	s2 =	smul.u32 $0x50, s2  }
0x8: {  	s1 =	simm.s32 @!p0 $0x50  }
0x9: {  	s1 =	sadd.s32 s1, s2  }
0xa: {  	s3 =	smin.u32 s1, $0xFA0  }
0xb: {  	s7 =	ssub.s32 s3, s2  }
0xc: {  	p0 =	sgt.s32 s7, $0x0  }
0xd: {  	s7 =	simm.s32 @!p0 $0x0  }
0xe: {  	s31 =	smul.u32 $0xCCCD, s7  }
0xf: {  	s4 =	rddreg [dreg:$0x0];
	s6 =	simm.s32 $0x1  }
0x10: {  	s10 =	simm.s32 $0x3;
	s13 =	simm.s32 $0x0;
	s8 =	sshrl.u32 s31, $0x16  }
0x11: {  	s12 =	simm.s32 $0x0;
	s5 =	sadd.s32 $0x200, s4;
	s9 =	smul.u32 $0x50, s8  }
.Ltmp0:
0x12: {  	s11 =	smov.u32 s2;
	s1 =	rddreg [dreg:$0x1];
	(pc) =	sbr.rel .LBB2_1-.Ltmp0, $4  }
0x13: {  	_ =	strace $0x80000047;
	p0 =	sne.s32 s7, s9;
	s9 =	simm.s32 $0x1  }
0x14: {  	[sflag:s6] =	ssyncpa.u1 $0x0;
	s7 =	simm.s32 $0x2;
	s9 =	simm.s32 @!p0 $0x0  }
0x15: {  	[sflag:s7] =	ssyncpa.u1 $0x0;
	p0 =	por $0x0, $0x0;
	s8 =	sadd.s32 s8, s9  }
0x16: {  	v0 =	vimm.s32 $0x0;
	vm0 =	vmmov $0xff;
	vm1 =	vcmask $0x3F20;
	s9 =	sadd.s32 $0x9C600, s4;
	[sflag:s10] =	ssyncpa.u1 $0x0;
	s10 =	sadd.s32 $0x1, s8  }
.LBB2_6:
0x17: {  	[hbm:s17] =	stream.linear.scatter [tilespmem:s14], [sflag:$0x3], $0x400, $0x38;
	[tilespmem:$0x50A0] =	vst v63  }
.LBB2_7:
0x18: {  	s13 =	sadd.s32 $0x50, s11  }
0x19: {  	s15 =	smov.u32 s2;
	p2 =	slt.s32 s13, s3  }
0x1a: {  	s15 =	smov.u32 @p2 s13;
	p2 =	sne.s32 s12, s10  }
.Ltmp1:
0x1b: {  	p1 =	slt.u32 s12, $0x2;
	(pc) =	sbr.rel @!p2 .LBB2_8-.Ltmp1, $4  }
0x1c: {  	s14 =	simm.s32 @!p1 $0x3  }
0x1d: {  	s16 =	sadd.s32 $0x1, s12;
	_ =	swait.ge @!p1 [sflag:s14], $0x2800  }
0x1e: {  	p0 =	por !p0, !p0;
	s13 =	smov.u32 s11;
	[sflag:s14] =	ssyncset.done @!p1 $0x0  }
0x1f: {  	s12 =	smov.u32 s16;
	s11 =	smov.u32 s15;
	[sflag:s14] =	ssyncadd.s32 @!p1 $0xFFFFD800  }
.LBB2_1:
0x20: {  	p1 =	sge.u32 s12, s8  }
0x21: {  	s14 =	sxor.u32 @!p1 $0xFFFFFFFF, s12  }
0x22: {  	s14 =	sand.u32 @!p1 $0x1, s14  }
0x23: {  	s14 =	smul.u32 @!p1 $0x140, s14  }
0x24: {  	s31 =	sadd.s32 $0xFFFFFFFF, s12;
	s15 =	sshrl.u32 @!p1 s11, $0x3  }
0x25: {  	s16 =	sand.u32 @!p1 $0x7, s11;
	s15 =	sadd.s32 @!p1 s4, s15;
	s14 =	sshrl.u32 @!p1 s14, $0x2  }
0x26: {  	[tilespmem:s14], [sflag:$0x2] =	stream.linear.gather @!p1 [hbm4b:s15+s16], $0x50, $0x38;
	[tilespmem:$0x50A0] =	vst v63  }
0x27: {  	p1 =	sge.u32 s31, s8  }
.Ltmp2:
0x28: {  	_ = 	snop;
	(pc) =	sbr.rel @p1 .LBB2_7-.Ltmp2, $1  }
0x29: {  	_ =	sdelay $0x3  }
0x2a: {  	s14 =	simm.s32 $0x1  }
0x2b: {  	s14 =	simm.s32 @!p0 $0x0  }
0x2c: {  	s15 =	smul.u32 $0x140, s14  }
0x2d: {  	_ =	swait.ge [sflag:s7], $0x50  }
0x2e: {  	[sflag:s7] =	ssyncset.done $0x0;
	s16 =	sshrl.u32 s15, $0x2  }
0x2f: {  	[sflag:s7] =	ssyncadd.s32 $0xFFFFFFB0;
	s15 =	sadd.s32 $0x0, s16  }
0x30: {  	v1 =	vld.msk [tilespmem:s15+$0x0 ss:$0x1], $0xffff;
	_ =	sdelay $0x4  }
0x31: {  	v2 =	vand.u32 $0x1, v1;
	v3 =	vshll.u32 v1, $0x6  }
0x32: {  	vm2 =	veq.s32 v1, $0x80000000;
	vm3 =	veq.s32 v2, $0x1;
	v1 =	vand.u32 $0x3FFF80, v3  }
0x33: {  	v2 =	vsel vm3, $0x271000, v0;
	v1 =	vsel vm2, $0xFFFFFF80, v1  }
0x34: {  	v2 =	vsel vm2, $0xFFD8F000, v2;
	v3 =	vand.u32 $0xFFFFFC00, v1  }
0x35: {  	v1 =	vand.u32 $0x380, v1;
	v2 =	vadd.s32 v2, v3  }
0x36: {  	v1 =	vor.u32 v1, v2  }
0x37: {  	v1 =	vshrl.u32 v1, $0x3  }
0x38: {  	s14 =	smul.u32 $0xA000, s14;
	_ =	sdelay $0x1  }
0x39: {  	s14 =	sshrl.u32 s14, $0x2  }
0x3a: {  	s14 =	sor.u32 $0xA0, s14  }
0x3b: {  	[tilespmem:s14], [sflag:$0x1] =	stream.indirect_vreg.gather [hbm:s5], $0x80, v1, vm0, $0x38;
	[tilespmem:$0x50A0] =	vst v63  }
0x3c: {  	s17 =	sadd.s32 $0x10, s16;
	s15 =	sadd.s32 $0x400, s14  }
0x3d: {  	[tilespmem:s15], [sflag:$0x1] =	stream.indirect_vreg.gather [hbm:s5], $0x80, v1, vm1, $0x38;
	[tilespmem:$0x50A0] =	vst v63  }
0x3e: {  	s18 =	simm.s32 $0x80;
	v1 =	vld.msk [tilespmem:s17+$0x0 ss:$0x1], $0xffff;
	s17 =	smov.u32 s14  }
.LBB2_3:
0x3f: {  	p1 =	sne.s32 s18, $0x100;
	_ =	sdelay $0x4  }
0x40: {  	v2 =	vand.u32 $0x1, v1;
	v3 =	vshll.u32 v1, $0x6  }
0x41: {  	vm2 =	veq.s32 v1, $0x80000000;
	vm3 =	veq.s32 v2, $0x1;
	v1 =	vand.u32 $0x3FFF80, v3  }
0x42: {  	v2 =	vsel vm3, $0x271000, v0;
	v1 =	vsel vm2, $0xFFFFFF80, v1  }
0x43: {  	v2 =	vsel vm2, $0xFFD8F000, v2;
	v3 =	vand.u32 $0xFFFFFC00, v1  }
0x44: {  	v1 =	vand.u32 $0x380, v1;
	v2 =	vadd.s32 v2, v3  }
0x45: {  	v1 =	vor.u32 v1, v2  }
0x46: {  	v1 =	vshrl.u32 v1, $0x3;
	_ =	sdelay $0x3  }
.Ltmp3:
0x47: {  	s19 =	sshra.s32 s18, $0x2;
	s17 =	sadd.s32 $0x800, s17;
	(pc) =	sbr.rel @p1 .LBB2_3-.Ltmp3, $4  }
0x48: {  	[tilespmem:s17], [sflag:$0x1] =	stream.indirect_vreg.gather [hbm:s5], $0x80, v1, vm0, $0x38;
	[tilespmem:$0x50A0] =	vst v63  }
0x49: {  	s19 =	sadd.s32 s19, s16;
	s20 =	sadd.s32 $0x400, s17  }
0x4a: {  	[tilespmem:s20], [sflag:$0x1] =	stream.indirect_vreg.gather [hbm:s5], $0x80, v1, vm1, $0x38;
	[tilespmem:$0x50A0] =	vst v63  }
0x4b: {  	s18 =	sadd.s32 $0x40, s18;
	v1 =	vld.msk [tilespmem:s19+$0x0 ss:$0x1], $0xffff  }
0x4c: {  	_ =	sdelay $0x3  }
0x4d: {  	v2 =	vand.u32 $0x1, v1;
	v3 =	vshll.u32 v1, $0x6  }
0x4e: {  	vm2 =	veq.s32 v1, $0x80000000;
	vm3 =	veq.s32 v2, $0x1;
	v1 =	vand.u32 $0x3FFF80, v3  }
0x4f: {  	v2 =	vsel vm3, $0x271000, v0;
	v1 =	vsel vm2, $0xFFFFFF80, v1  }
0x50: {  	v2 =	vsel vm2, $0xFFD8F000, v2;
	v3 =	vand.u32 $0xFFFFFC00, v1  }
0x51: {  	v1 =	vand.u32 $0x380, v1;
	v2 =	vadd.s32 v2, v3  }
0x52: {  	v1 =	vor.u32 v1, v2  }
0x53: {  	v1 =	vshrl.u32 v1, $0x3;
	_ =	sdelay $0x3  }
0x54: {  	s16 =	sadd.s32 $0x800, s17  }
0x55: {  	[tilespmem:s16], [sflag:$0x1] =	stream.indirect_vreg.gather [hbm:s5], $0x80, v1, vm0, $0x38;
	[tilespmem:$0x50A0] =	vst v63  }
0x56: {  	s16 =	sadd.s32 $0x400, s16  }
0x57: {  	[tilespmem:s16], [sflag:$0x1] =	stream.indirect_vreg.gather [hbm:s5], $0x80, v1, vm1, $0x38;
	[tilespmem:$0x50A0] =	vst v63  }
0x58: {  	s13 =	sshll.u32 s13, $0x4;
	_ =	swait.ge [sflag:s6], $0x2800  }
0x59: {  	s13 =	sadd.s32 s13, s9;
	[sflag:s6] =	ssyncset.done $0x0  }
0x5a: {  	s17 =	sadd.s32 $0x0, s13;
	s16 =	simm.s32 $0x80;
	[sflag:s6] =	ssyncadd.s32 $0xFFFFD800  }
.LBB2_5:
0x5b: {  	[hbm:s17] =	stream.linear.scatter [tilespmem:s14], [sflag:$0x3], $0x400, $0x38;
	[tilespmem:$0x50A0] =	vst v63  }
0x5c: {  	s17 =	smov.u32 s16;
	s14 =	smov.u32 s15;
	p1 =	sne.s32 s16, $0x480  }
.Ltmp4:
0x5d: {  	s16 =	sadd.s32 $0x80, s16;
	(pc) =	sbr.rel @p1 .LBB2_5-.Ltmp4, $2  }
0x5e: {  	_ =	sdelay $0x2  }
0x5f: {  	s15 =	sadd.s32 $0x400, s15;
	s17 =	sadd.s32 s17, s13  }
.Ltmp5:
0x60: {  	_ = 	snop;
	(pc) =	sbr.rel .LBB2_6-.Ltmp5, $1  }
0x61: {  	_ =	sdelay $0x3  }
.LBB2_8:
0x62: {  	_ =	sfence.sel $0x180000  }
0x63: {  	s2 =	simm.s32 $0x2;
	[bflag:$0x0] =	sbarrier.arrive $0xFFFF  }
0x64: {  	s30 =	simm.s32 $0x3;
	[sflag:s2] =	ssyncpa.u1 $0x1  }
0x65: {  	s31 =	simm.s32 $0x1;
	[sflag:s30] =	ssyncpa.u1 $0x1  }
0x66: {  	[sflag:s31] =	ssyncpa.u1 $0x1  }
0x67: {  	p0 =	sne.s32 s0, $0x0;
	_ =	strace $0x90000047  }
0x68: {  	s0 =	sadd.s32 @!p0 $0x100000, s1;
	[bflag:$0x2] =	sbarrier.arrive $0xFFFF  }
0x69: {  	[sflag:s0] =	ssyncadd.tile.s32 @!p0 $0x1;
	_ =	shalt  }
.Lfunc_end2:
_tile_overlayer_lowered:
.L_overlay_start_2:
0x6a: {  	(tag) =	ssettag $0x2  }
0x6b: {  	s0 =	rddreg [dreg:$0x0];
	s2 =	stileid.u32  }
0x6c: {  	s1 =	rddreg [dreg:$0x1];
	p0 =	sne.s32 s2, $0x0  }
0x6d: {  	s3 =	rddreg [dreg:$0x2];
	[bflag:$0x3] =	sbarrier.arrive $0xFFFF;
	s2 =	simm.s32 @!p0 $0x1C01  }
0x6e: {  	[timem:s3], [sflag:s2] =	dma.local @!p0 [hbm:s0], s1  }
0x6f: {  	s0 =	simm.s32 @!p0 $0x1  }
0x70: {  	_ =	swait.ge @!p0 [sflag:s0], s1  }
0x71: {  	s1 =	ssub.s32 @!p0 $0x0, s1;
	[sflag:s0] =	ssyncset.done @!p0 $0x0  }
0x72: {  	[sflag:s0] =	ssyncadd.s32 @!p0 s1  }
0x73: {  	[bflag:$0x3] =	sbarrier.arrive $0xFFFF  }
0x74: {  	_ =	shalt  }

// kernel: gather_offload_async_start.2
scs
__scs_entry_jumppad:
0x0: {  	(pc) =	sbr.rel $0x88, $3  }
0x1: {  	(tag) =	ssettag $0x0;
	lr =	simm.s32 $0x1  }
0x2: {  	[smem:$0x3F9E] =	sst lr;
	_ =	strace $0xD0000000  }
0x3: {  	_ = 	snop  }
0x4: {  	_ = 	snop  }
0x5: {  	_ = 	snop  }
0x6: {  	_ = 	snop  }
0x7: {  	_ = 	snop  }
__scs_overlays_trampoline_lowered:
0x8: {  	[smem:$0x3FAD] =	sst s0  }
0x9: {  	[smem:$0x3FAE] =	sst s1  }
0xa: {  	[smem:$0x3FAF] =	sst s2  }
0xb: {  	[smem:$0x3FB0] =	sst s3  }
0xc: {  	[smem:$0x3FB1] =	sst s4  }
0xd: {  	[smem:$0x3FB2] =	sst s5  }
0xe: {  	[smem:$0x3FB3] =	sst s6  }
0xf: {  	[smem:$0x3FB4] =	sst s7  }
0x10: {  	[smem:$0x3FB5] =	sst s8  }
0x11: {  	[smem:$0x3FB6] =	sst s9;
	s0 =	simm.s32 @!p0 $0x0  }
0x12: {  	s1 =	sld [smem:$0x3F9C];
	s0 =	simm.s32 @p0 $0x1  }
0x13: {  	[smem:$0x3FB7] =	sst s0;
	s0 =	simm.s32 @!p1 $0x0  }
0x14: {  	s2 =	sld [smem:$0x3F9B];
	s0 =	simm.s32 @p1 $0x1  }
0x15: {  	[smem:$0x3FB8] =	sst s0;
	s0 =	simm.s32 @!p2 $0x0  }
0x16: {  	s3 =	sld [smem:$0x3FDB];
	s0 =	simm.s32 @p2 $0x1  }
0x17: {  	s4 =	simm.s32 $0x1BF5;
	[smem:$0x3FBA] =	sst s0  }
0x18: {  	s0 =	sld [smem:$0x3F9D];
	_ =	swait.ge [sflag:s4], $0x0  }
0x19: {  	s7 =	sld [smem:$0x3F9E]  }
0x1a: {  	s8 =	sadd.s32 $0xFFFFE003, lr  }
0x1b: {  	s9 =	sadd.s32 $0xFFFFFEF7, lr;
	s5 =	simm.s32 $0xFFFFFFFF;
	p2 =	slt.u32 s8, $0xFFFFF086  }
0x1c: {  	p1 =	slt.u32 s9, $0xF7A;
	s5 =	simm.s32 @!p2 $0x0  }
0x1d: {  	s5 =	simm.s32 @p1 $0x1;
	p0 =	seq.s32 s7, s2  }
0x1e: {  	s7 =	smul.u32 @!p0 $0xF7A, s2;
	p2 =	seq.s32 @!p0 s5, $0x0  }
0x1f: {  	s9 =	smul.u32 $0xF7A, s1;
	s8 =	simm.s32 @!p0 $0x1BF5;
	p2 =	por !p2, p0  }
0x20: {  	[sflag:s8] =	ssyncset.s32 @!p0 $0xFFFFF086;
	s6 =	sadd.s32 @!p0 s3, s7;
	s7 =	simm.s32 @!p0 $0x108  }
0x21: {  	s3 =	sadd.s32 s3, s9;
	s6 =	sadd.s32 @!p0 $0x88, s6;
	s7 =	simm.s32 @p2 $0x1082  }
0x22: {  	[simem:s7], [sflag:s8] =	dma.local @!p0 [hbm:s6], $0xF7A  }
0x23: {  	s9 =	sor.u32 $0xD0000000, s2;
	s6 =	simm.s32 $0x108;
	_ =	swait.ge @!p0 [sflag:s8], $0x0  }
0x24: {  	s3 =	sadd.s32 $0x88, s3;
	s6 =	simm.s32 @!p1 $0x1082;
	[sflag:s4] =	ssyncset.s32 $0xFFFFF086  }
0x25: {  	[simem:s6], [sflag:s4] =	dma.local [hbm:s3], $0xF7A  }
0x26: {  	[smem:$0x3F9E] =	sst s1;
	(tag) =	ssettag s2;
	_ =	strace s9  }
0x27: {  	s1 =	sld [smem:$0x3FAE]  }
0x28: {  	s2 =	sld [smem:$0x3FAF]  }
0x29: {  	s4 =	sld [smem:$0x3FB1]  }
0x2a: {  	p0 =	seq.s32 s5, $0x0;
	s5 =	sld [smem:$0x3FB2]  }
0x2b: {  	s6 =	sld [smem:$0x3FB3]  }
0x2c: {  	s7 =	sld [smem:$0x3FB4]  }
0x2d: {  	s3 =	simm.s32 $0x108;
	s8 =	sld [smem:$0x3FB5]  }
0x2e: {  	s3 =	simm.s32 @!p0 $0x1082;
	s9 =	sld [smem:$0x3FB6]  }
0x2f: {  	lr =	sadd.s32 s0, s3;
	s0 =	sld [smem:$0x3FAD]  }
0x30: {  	s3 =	sld [smem:$0x3FB0]  }
0x31: {  	[smem:$0x3FB9] =	sst s10  }
0x32: {  	s10 =	sld [smem:$0x3FB7];
	_ =	sdelay $0x3  }
0x33: {  	p0 =	seq.s32 s10, $0x1;
	s10 =	sld [smem:$0x3FB9];
	_ =	sdelay $0x3  }
0x34: {  	[smem:$0x3FB9] =	sst s10  }
0x35: {  	s10 =	sld [smem:$0x3FB8];
	_ =	sdelay $0x3  }
0x36: {  	p1 =	seq.s32 s10, $0x1;
	s10 =	sld [smem:$0x3FB9];
	_ =	sdelay $0x3  }
0x37: {  	[smem:$0x3FB9] =	sst s10  }
0x38: {  	s10 =	sld [smem:$0x3FBA]  }
0x39: {  	_ = 	snop;
	(pc) =	sbr.ind lr, $3  }
0x3a: {  	_ = 	snop  }
0x3b: {  	_ = 	snop  }
0x3c: {  	p2 =	seq.s32 s10, $0x1;
	s10 =	sld [smem:$0x3FB9]  }
0x3d: {  	_ =	shalt  }
0x3e: {  	_ =	shalt  }
0x3f: {  	_ =	shalt  }
0x40: {  	_ =	shalt  }
0x41: {  	_ =	shalt  }
0x42: {  	_ =	shalt  }
0x43: {  	_ =	shalt  }
0x44: {  	_ =	shalt  }
0x45: {  	_ =	shalt  }
0x46: {  	_ =	shalt  }
0x47: {  	_ =	shalt  }
0x48: {  	_ =	shalt  }
0x49: {  	_ =	shalt  }
0x4a: {  	_ =	shalt  }
0x4b: {  	_ =	shalt  }
0x4c: {  	_ =	shalt  }
0x4d: {  	_ =	shalt  }
0x4e: {  	_ =	shalt  }
0x4f: {  	_ =	shalt  }
0x50: {  	_ =	shalt  }
0x51: {  	_ =	shalt  }
0x52: {  	_ =	shalt  }
0x53: {  	_ =	shalt  }
0x54: {  	_ =	shalt  }
0x55: {  	_ =	shalt  }
0x56: {  	_ =	shalt  }
0x57: {  	_ =	shalt  }
0x58: {  	_ =	shalt  }
0x59: {  	_ =	shalt  }
0x5a: {  	_ =	shalt  }
0x5b: {  	_ =	shalt  }
0x5c: {  	_ =	shalt  }
0x5d: {  	_ =	shalt  }
0x5e: {  	_ =	shalt  }
0x5f: {  	_ =	shalt  }
0x60: {  	_ =	shalt  }
0x61: {  	_ =	shalt  }
0x62: {  	_ =	shalt  }
0x63: {  	_ =	shalt  }
0x64: {  	_ =	shalt  }
0x65: {  	_ =	shalt  }
0x66: {  	_ =	shalt  }
0x67: {  	_ =	shalt  }
0x68: {  	_ =	shalt  }
0x69: {  	_ =	shalt  }
0x6a: {  	_ =	shalt  }
0x6b: {  	_ =	shalt  }
0x6c: {  	_ =	shalt  }
0x6d: {  	_ =	shalt  }
0x6e: {  	_ =	shalt  }
0x6f: {  	_ =	shalt  }
0x70: {  	_ =	shalt  }
0x71: {  	_ =	shalt  }
0x72: {  	_ =	shalt  }
0x73: {  	_ =	shalt  }
0x74: {  	_ =	shalt  }
0x75: {  	_ =	shalt  }
0x76: {  	_ =	shalt  }
0x77: {  	_ =	shalt  }
0x78: {  	_ =	shalt  }
0x79: {  	_ =	shalt  }
0x7a: {  	_ =	shalt  }
0x7b: {  	_ =	shalt  }
0x7c: {  	_ =	shalt  }
0x7d: {  	_ =	shalt  }
0x7e: {  	_ =	shalt  }
0x7f: {  	_ =	shalt  }
0x80: {  	_ =	shalt  }
0x81: {  	_ =	shalt  }
0x82: {  	_ =	shalt  }
0x83: {  	_ =	shalt  }
0x84: {  	_ =	shalt  }
0x85: {  	_ =	shalt  }
0x86: {  	_ =	shalt  }
0x87: {  	_ =	shalt  }
.Lfunc_end0:
.L_simem_size_0:
called_computation.2_lowered:
.L_overlay_start_0:
0x88: {  	s0 =	sld [smem:$0x3FD9]  }
0x89: {  	s1 =	sld [smem:$0x3FFE];
	_ =	sdelay $0x3  }
0x8a: {  	s0 =	sadd.s32 s1, s0  }
0x8b: {  	[smem:$0x3FC5] =	sst s0  }
0x8c: {  	_ = 	snop  }
0x8d: {  	s0 =	sld [smem:$0x3FD0];
	_ =	sdelay $0x2  }
0x8e: {  	s13 =	simm.s32 $0xB;
	s2 =	simm.s32 $0x10  }
0x8f: {  	[smem:s2], [sflag:s13] =	dma.local [hbm:s0], $0x1  }
0x90: {  	_ =	swait.eq [sflag:s13], $0x1  }
0x91: {  	[sflag:s13] =	ssyncset.done $0x0  }
0x92: {  	[sflag:s13] =	ssyncadd.s32 $0xFFFFFFFF  }
0x93: {  	s14 =	sld [smem:$0x10];
	(tm) =	ssettm $0x1  }
0x94: {  	s15 =	sld [smem:$0x3FFB];
	_ =	sdelay $0x3  }
0x95: {  	_ =	strace s15  }
0x96: {  	s1 =	sld [smem:$0x3FFC];
	_ =	sdelay $0x3  }
0x97: {  	_ =	strace s1  }
0x98: {  	s1 =	sld [smem:$0x3FFD];
	_ =	sdelay $0x3  }
0x99: {  	_ =	strace s1  }
0x9a: {  	_ =	strace $0x8FFFFFFF  }
0x9b: {  	s16 =	sld [smem:$0x3FDB];
	_ =	sdelay $0x1  }
0x9c: {  	s17 =	simm.s32 $_scs_section_size  }
0x9d: {  	s3 =	simm.s32 $_size__tile_overlayer_lowered;
	s4 =	simm.s32 $_tile_overlayer_lowered  }
0x9e: {  	s20 =	simm.s32 $0x1BFF;
	s19 =	sshll.u32 s4, $0x1;
	s1 =	sadd.s32 s17, s16  }
0x9f: {  	s5 =	simm.s32 $0x0;
	s18 =	sshll.u32 s3, $0x1;
	s3 =	sadd.s32 s19, s1  }
0xa0: {  	[timem:s5], [sflag:s20] =	dma.local [hbm:s3], s18  }
0xa1: {  	_ =	swait.ge [sflag:s20], s18  }
0xa2: {  	s2 =	ssub.s32 $0x0, s18;
	[sflag:s20] =	ssyncset.done $0x0  }
0xa3: {  	[sflag:s20] =	ssyncadd.s32 s2;
	_ =	sdelay $0x1  }
0xa4: {  	s21 =	simm.s32 $0x1B8B  }
0xa5: {  	_ =	swait.ge [sflag:s21], $0x1  }
0xa6: {  	[sflag:s21] =	ssyncset.done $0x0  }
0xa7: {  	s23 =	simm.s32 $0x1B8E;
	s22 =	sld [smem:$0x3FFE];
	[sflag:s21] =	ssyncadd.s32 $0xFFFFFFFF  }
0xa8: {  	s24 =	simm.s32 $execute0_lowered;
	[smem:$0x3FD2] =	sst s23  }
0xa9: {  	s3 =	sshll.u32 s24, $0x1;
	_ =	strace $0x8000004C;
	[dreg:$0x1] =	wrdreg $0xFFFFFFFF  }
0xaa: {  	s25 =	simm.s32 $_size_execute0_lowered;
	s1 =	sadd.s32 s1, s3;
	[dreg:$0x0] =	wrdreg $0x0  }
0xab: {  	s3 =	sshll.u32 s25, $0x1;
	[dreg:$0x2] =	wrdreg s1  }
0xac: {  	[dreg:$0x3] =	wrdreg s3  }
0xad: {  	[dreg:$0x4] =	wrdreg $0xC0  }
0xae: {  	_ =	task [dreg:s5], $0x5FFFF  }
0xaf: {  	[dreg:$0x1] =	wrdreg $0xFFFFFFFF  }
0xb0: {  	[dreg:$0x0] =	wrdreg $0x60  }
0xb1: {  	[dreg:$0x2] =	wrdreg s22  }
0xb2: {  	[dreg:$0x3] =	wrdreg s14  }
0xb3: {  	[dreg:$0x4] =	wrdreg $0x9  }
0xb4: {  	_ =	task.clear_ibuf [dreg:s5], $0x5FFFF;
	_ =	strace $0x9000004C  }
0xb5: {  	s26 =	simm.s32 $0x9;
	_ =	strace $0x8000004E  }
0xb6: {  	_ =	swait.ge [sflag:s26], $0x1  }
0xb7: {  	[sflag:s26] =	ssyncadd.s32 $0xFFFFFFFF  }
0xb8: {  	_ =	strace $0x9000004E  }
0xb9: {  	_ =	sfence  }
0xba: {  	s28 =	sld [smem:$0x0];
	_ =	sdelay $0x1  }
0xbb: {  	s29 =	srdreg.scid  }
0xbc: {  	s30 =	sshll.u32 s29, $0xD;
	s31 =	sshrl.u32 s29, $0x2  }
0xbd: {  	s2 =	sand.u32 $0x4000, s30;
	s1 =	sand.u32 $0x1, s29;
	s0 =	sadd.s32 s31, s28  }
0xbe: {  	s1 =	sor.u32 s2, s1;
	s0 =	sshll.u32 s0, $0x11  }
0xbf: {  	s0 =	sor.u32 s0, s1  }
0xc0: {  	s0 =	sadd.s32 $0x8F2B, s0  }
0xc1: {  	[sflag:s0] =	ssyncadd.remote.s32 $0x1  }
0xc2: {  	_ =	sfence.sel $0xFFFF  }
0xc3: {  	[dreg:$0x0] =	wrdreg $0xFFFFFFFF;
	(pc) =	sbr.abs _section_cstart, $3  }
0xc4: {  	[dreg:$0x1] =	wrdreg $0xFFFFFFFF  }
0xc5: {  	_ =	task.clear_ibuf [dreg:s5], $0x2FFFF;
	_ =	strace $0x9FFFFFFF  }
0xc6: {  	(tm) =	ssettm $0x7FFFFFFF  }
0xc7: {  	_ =	shalt  }
tec
execute0_lowered:
.L_overlay_start_1:
0x0: {  	(tag) =	ssettag $0x1  }
0x1: {  	s0 =	stileid.u32  }
0x2: {  	s1 =	smin.u32 s0, $0x9  }
0x3: {  	s1 =	sadd.s32 s0, s1  }
0x4: {  	s2 =	simm.s32 $0xA0;
	p0 =	slt.u32 s0, $0x9;
	s1 =	smul.u32 $0x50, s1  }
0x5: {  	s2 =	simm.s32 @!p0 $0x50  }
0x6: {  	s2 =	sadd.s32 s2, s1  }
0x7: {  	s3 =	smin.u32 s2, $0x7D0  }
0x8: {  	s7 =	ssub.s32 s3, s1  }
0x9: {  	p0 =	sgt.s32 s7, $0x0  }
0xa: {  	s7 =	simm.s32 @!p0 $0x0  }
0xb: {  	s4 =	rddreg [dreg:$0x0];
	s31 =	smul.u32 $0xCCCD, s7  }
0xc: {  	s5 =	rddreg [dreg:$0x1]  }
0xd: {  	s6 =	simm.s32 $0x1;
	s10 =	simm.s32 $0x3;
	s8 =	sshrl.u32 s31, $0x16  }
0xe: {  	s13 =	simm.s32 $0x0;
	s12 =	simm.s32 $0x0;
	s9 =	smul.u32 $0x50, s8  }
.Ltmp0:
0xf: {  	s11 =	smov.u32 s1;
	s2 =	rddreg [dreg:$0x2];
	(pc) =	sbr.rel .LBB2_1-.Ltmp0, $4  }
0x10: {  	_ =	strace $0x8000004D;
	p0 =	sne.s32 s7, s9;
	s9 =	simm.s32 $0x1  }
0x11: {  	[sflag:s6] =	ssyncpa.u1 $0x0;
	s7 =	simm.s32 $0x2;
	s9 =	simm.s32 @!p0 $0x0  }
0x12: {  	[sflag:s7] =	ssyncpa.u1 $0x0;
	p0 =	por $0x0, $0x0;
	s8 =	sadd.s32 s8, s9  }
0x13: {  	v0 =	vimm.s32 $0x0;
	vm0 =	vmmov $0xff;
	vm1 =	vcmask $0x3F20;
	s9 =	sadd.s32 $0xFA00, s4;
	[sflag:s10] =	ssyncpa.u1 $0x0;
	s10 =	sadd.s32 $0x1, s8  }
.LBB2_6:
0x14: {  	[hbm:s17] =	stream.linear.scatter [tilespmem:s14], [sflag:$0x3], $0x400, $0x38;
	[tilespmem:$0x50A0] =	vst v63  }
.LBB2_7:
0x15: {  	s13 =	sadd.s32 $0x50, s11  }
0x16: {  	s15 =	smov.u32 s1;
	p2 =	slt.s32 s13, s3  }
0x17: {  	s15 =	smov.u32 @p2 s13;
	p2 =	sne.s32 s12, s10  }
.Ltmp1:
0x18: {  	p1 =	slt.u32 s12, $0x2;
	(pc) =	sbr.rel @!p2 .LBB2_8-.Ltmp1, $4  }
0x19: {  	s14 =	simm.s32 @!p1 $0x3  }
0x1a: {  	s16 =	sadd.s32 $0x1, s12;
	_ =	swait.ge @!p1 [sflag:s14], $0x2800  }
0x1b: {  	p0 =	por !p0, !p0;
	s13 =	smov.u32 s11;
	[sflag:s14] =	ssyncset.done @!p1 $0x0  }
0x1c: {  	s12 =	smov.u32 s16;
	s11 =	smov.u32 s15;
	[sflag:s14] =	ssyncadd.s32 @!p1 $0xFFFFD800  }
.LBB2_1:
0x1d: {  	p1 =	sge.u32 s12, s8  }
0x1e: {  	s14 =	sxor.u32 @!p1 $0xFFFFFFFF, s12  }
0x1f: {  	s14 =	sand.u32 @!p1 $0x1, s14  }
0x20: {  	s14 =	smul.u32 @!p1 $0x140, s14  }
0x21: {  	s31 =	sadd.s32 $0xFFFFFFFF, s12;
	s15 =	sshrl.u32 @!p1 s11, $0x3  }
0x22: {  	s16 =	sand.u32 @!p1 $0x7, s11;
	s15 =	sadd.s32 @!p1 s5, s15;
	s14 =	sshrl.u32 @!p1 s14, $0x2  }
0x23: {  	[tilespmem:s14], [sflag:$0x2] =	stream.linear.gather @!p1 [hbm4b:s15+s16], $0x50, $0x38;
	[tilespmem:$0x50A0] =	vst v63  }
0x24: {  	p1 =	sge.u32 s31, s8  }
.Ltmp2:
0x25: {  	_ = 	snop;
	(pc) =	sbr.rel @p1 .LBB2_7-.Ltmp2, $1  }
0x26: {  	_ =	sdelay $0x3  }
0x27: {  	s14 =	simm.s32 $0x1  }
0x28: {  	s14 =	simm.s32 @!p0 $0x0  }
0x29: {  	s15 =	smul.u32 $0x140, s14  }
0x2a: {  	_ =	swait.ge [sflag:s7], $0x50  }
0x2b: {  	[sflag:s7] =	ssyncset.done $0x0;
	s16 =	sshrl.u32 s15, $0x2  }
0x2c: {  	[sflag:s7] =	ssyncadd.s32 $0xFFFFFFB0;
	s15 =	sadd.s32 $0x0, s16  }
0x2d: {  	v1 =	vld.msk [tilespmem:s15+$0x0 ss:$0x1], $0xffff;
	_ =	sdelay $0x4  }
0x2e: {  	v2 =	vand.u32 $0x1, v1;
	v3 =	vshll.u32 v1, $0x6  }
0x2f: {  	vm2 =	veq.s32 v1, $0x80000000;
	vm3 =	veq.s32 v2, $0x1;
	v1 =	vand.u32 $0x3FF80, v3  }
0x30: {  	v2 =	vsel vm3, $0x3E800, v0;
	v1 =	vsel vm2, $0xFFFFFF80, v1  }
0x31: {  	v2 =	vsel vm2, $0xFFFC1800, v2;
	v3 =	vand.u32 $0xFFFFFC00, v1  }
0x32: {  	v1 =	vand.u32 $0x380, v1;
	v2 =	vadd.s32 v2, v3  }
0x33: {  	v1 =	vor.u32 v1, v2  }
0x34: {  	v1 =	vshrl.u32 v1, $0x3  }
0x35: {  	s14 =	smul.u32 $0xA000, s14;
	_ =	sdelay $0x1  }
0x36: {  	s14 =	sshrl.u32 s14, $0x2  }
0x37: {  	s14 =	sor.u32 $0xA0, s14  }
0x38: {  	[tilespmem:s14], [sflag:$0x1] =	stream.indirect_vreg.gather [hbm:s4], $0x80, v1, vm0, $0x38;
	[tilespmem:$0x50A0] =	vst v63  }
0x39: {  	s17 =	sadd.s32 $0x10, s16;
	s15 =	sadd.s32 $0x400, s14  }
0x3a: {  	[tilespmem:s15], [sflag:$0x1] =	stream.indirect_vreg.gather [hbm:s4], $0x80, v1, vm1, $0x38;
	[tilespmem:$0x50A0] =	vst v63  }
0x3b: {  	s18 =	simm.s32 $0x80;
	v1 =	vld.msk [tilespmem:s17+$0x0 ss:$0x1], $0xffff;
	s17 =	smov.u32 s14  }
.LBB2_3:
0x3c: {  	p1 =	sne.s32 s18, $0x100;
	_ =	sdelay $0x4  }
0x3d: {  	v2 =	vand.u32 $0x1, v1;
	v3 =	vshll.u32 v1, $0x6  }
0x3e: {  	vm2 =	veq.s32 v1, $0x80000000;
	vm3 =	veq.s32 v2, $0x1;
	v1 =	vand.u32 $0x3FF80, v3  }
0x3f: {  	v2 =	vsel vm3, $0x3E800, v0;
	v1 =	vsel vm2, $0xFFFFFF80, v1  }
0x40: {  	v2 =	vsel vm2, $0xFFFC1800, v2;
	v3 =	vand.u32 $0xFFFFFC00, v1  }
0x41: {  	v1 =	vand.u32 $0x380, v1;
	v2 =	vadd.s32 v2, v3  }
0x42: {  	v1 =	vor.u32 v1, v2  }
0x43: {  	v1 =	vshrl.u32 v1, $0x3;
	_ =	sdelay $0x3  }
.Ltmp3:
0x44: {  	s19 =	sshra.s32 s18, $0x2;
	s17 =	sadd.s32 $0x800, s17;
	(pc) =	sbr.rel @p1 .LBB2_3-.Ltmp3, $4  }
0x45: {  	[tilespmem:s17], [sflag:$0x1] =	stream.indirect_vreg.gather [hbm:s4], $0x80, v1, vm0, $0x38;
	[tilespmem:$0x50A0] =	vst v63  }
0x46: {  	s19 =	sadd.s32 s19, s16;
	s20 =	sadd.s32 $0x400, s17  }
0x47: {  	[tilespmem:s20], [sflag:$0x1] =	stream.indirect_vreg.gather [hbm:s4], $0x80, v1, vm1, $0x38;
	[tilespmem:$0x50A0] =	vst v63  }
0x48: {  	s18 =	sadd.s32 $0x40, s18;
	v1 =	vld.msk [tilespmem:s19+$0x0 ss:$0x1], $0xffff  }
0x49: {  	_ =	sdelay $0x3  }
0x4a: {  	v2 =	vand.u32 $0x1, v1;
	v3 =	vshll.u32 v1, $0x6  }
0x4b: {  	vm2 =	veq.s32 v1, $0x80000000;
	vm3 =	veq.s32 v2, $0x1;
	v1 =	vand.u32 $0x3FF80, v3  }
0x4c: {  	v2 =	vsel vm3, $0x3E800, v0;
	v1 =	vsel vm2, $0xFFFFFF80, v1  }
0x4d: {  	v2 =	vsel vm2, $0xFFFC1800, v2;
	v3 =	vand.u32 $0xFFFFFC00, v1  }
0x4e: {  	v1 =	vand.u32 $0x380, v1;
	v2 =	vadd.s32 v2, v3  }
0x4f: {  	v1 =	vor.u32 v1, v2  }
0x50: {  	v1 =	vshrl.u32 v1, $0x3;
	_ =	sdelay $0x3  }
0x51: {  	s16 =	sadd.s32 $0x800, s17  }
0x52: {  	[tilespmem:s16], [sflag:$0x1] =	stream.indirect_vreg.gather [hbm:s4], $0x80, v1, vm0, $0x38;
	[tilespmem:$0x50A0] =	vst v63  }
0x53: {  	s16 =	sadd.s32 $0x400, s16  }
0x54: {  	[tilespmem:s16], [sflag:$0x1] =	stream.indirect_vreg.gather [hbm:s4], $0x80, v1, vm1, $0x38;
	[tilespmem:$0x50A0] =	vst v63  }
0x55: {  	s13 =	sshll.u32 s13, $0x4;
	_ =	swait.ge [sflag:s6], $0x2800  }
0x56: {  	s13 =	sadd.s32 s13, s9;
	[sflag:s6] =	ssyncset.done $0x0  }
0x57: {  	s17 =	sadd.s32 $0x0, s13;
	s16 =	simm.s32 $0x80;
	[sflag:s6] =	ssyncadd.s32 $0xFFFFD800  }
.LBB2_5:
0x58: {  	[hbm:s17] =	stream.linear.scatter [tilespmem:s14], [sflag:$0x3], $0x400, $0x38;
	[tilespmem:$0x50A0] =	vst v63  }
0x59: {  	s17 =	smov.u32 s16;
	s14 =	smov.u32 s15;
	p1 =	sne.s32 s16, $0x480  }
.Ltmp4:
0x5a: {  	s16 =	sadd.s32 $0x80, s16;
	(pc) =	sbr.rel @p1 .LBB2_5-.Ltmp4, $2  }
0x5b: {  	_ =	sdelay $0x2  }
0x5c: {  	s15 =	sadd.s32 $0x400, s15;
	s17 =	sadd.s32 s17, s13  }
.Ltmp5:
0x5d: {  	_ = 	snop;
	(pc) =	sbr.rel .LBB2_6-.Ltmp5, $1  }
0x5e: {  	_ =	sdelay $0x3  }
.LBB2_8:
0x5f: {  	_ =	sfence.sel $0x180000  }
0x60: {  	s1 =	simm.s32 $0x2;
	[bflag:$0x0] =	sbarrier.arrive $0xFFFF  }
0x61: {  	s30 =	simm.s32 $0x3;
	[sflag:s1] =	ssyncpa.u1 $0x1  }
0x62: {  	s31 =	simm.s32 $0x1;
	[sflag:s30] =	ssyncpa.u1 $0x1  }
0x63: {  	[sflag:s31] =	ssyncpa.u1 $0x1  }
0x64: {  	p0 =	sne.s32 s0, $0x0;
	_ =	strace $0x9000004D  }
0x65: {  	s0 =	sadd.s32 @!p0 $0x100000, s2;
	[bflag:$0x2] =	sbarrier.arrive $0xFFFF  }
0x66: {  	[sflag:s0] =	ssyncadd.tile.s32 @!p0 $0x1;
	_ =	shalt  }
.Lfunc_end2:
_tile_overlayer_lowered:
.L_overlay_start_2:
0x67: {  	(tag) =	ssettag $0x2  }
0x68: {  	s0 =	rddreg [dreg:$0x0];
	s2 =	stileid.u32  }
0x69: {  	s1 =	rddreg [dreg:$0x1];
	p0 =	sne.s32 s2, $0x0  }
0x6a: {  	s3 =	rddreg [dreg:$0x2];
	[bflag:$0x3] =	sbarrier.arrive $0xFFFF;
	s2 =	simm.s32 @!p0 $0x1C01  }
0x6b: {  	[timem:s3], [sflag:s2] =	dma.local @!p0 [hbm:s0], s1  }
0x6c: {  	s0 =	simm.s32 @!p0 $0x1  }
0x6d: {  	_ =	swait.ge @!p0 [sflag:s0], s1  }
0x6e: {  	s1 =	ssub.s32 @!p0 $0x0, s1;
	[sflag:s0] =	ssyncset.done @!p0 $0x0  }
0x6f: {  	[sflag:s0] =	ssyncadd.s32 @!p0 s1  }
0x70: {  	[bflag:$0x3] =	sbarrier.arrive $0xFFFF  }
0x71: {  	_ =	shalt  }

// kernel: gather_offload_async_start
scs
__scs_entry_jumppad:
0x0: {  	(pc) =	sbr.rel $0x88, $3  }
0x1: {  	(tag) =	ssettag $0x0;
	lr =	simm.s32 $0x1  }
0x2: {  	[smem:$0x3F9E] =	sst lr;
	_ =	strace $0xD0000000  }
0x3: {  	_ = 	snop  }
0x4: {  	_ = 	snop  }
0x5: {  	_ = 	snop  }
0x6: {  	_ = 	snop  }
0x7: {  	_ = 	snop  }
__scs_overlays_trampoline_lowered:
0x8: {  	[smem:$0x3FAD] =	sst s0  }
0x9: {  	[smem:$0x3FAE] =	sst s1  }
0xa: {  	[smem:$0x3FAF] =	sst s2  }
0xb: {  	[smem:$0x3FB0] =	sst s3  }
0xc: {  	[smem:$0x3FB1] =	sst s4  }
0xd: {  	[smem:$0x3FB2] =	sst s5  }
0xe: {  	[smem:$0x3FB3] =	sst s6  }
0xf: {  	[smem:$0x3FB4] =	sst s7  }
0x10: {  	[smem:$0x3FB5] =	sst s8  }
0x11: {  	[smem:$0x3FB6] =	sst s9;
	s0 =	simm.s32 @!p0 $0x0  }
0x12: {  	s1 =	sld [smem:$0x3F9C];
	s0 =	simm.s32 @p0 $0x1  }
0x13: {  	[smem:$0x3FB7] =	sst s0;
	s0 =	simm.s32 @!p1 $0x0  }
0x14: {  	s2 =	sld [smem:$0x3F9B];
	s0 =	simm.s32 @p1 $0x1  }
0x15: {  	[smem:$0x3FB8] =	sst s0;
	s0 =	simm.s32 @!p2 $0x0  }
0x16: {  	s3 =	sld [smem:$0x3FDB];
	s0 =	simm.s32 @p2 $0x1  }
0x17: {  	s4 =	simm.s32 $0x1BF5;
	[smem:$0x3FBA] =	sst s0  }
0x18: {  	s0 =	sld [smem:$0x3F9D];
	_ =	swait.ge [sflag:s4], $0x0  }
0x19: {  	s7 =	sld [smem:$0x3F9E]  }
0x1a: {  	s8 =	sadd.s32 $0xFFFFE003, lr  }
0x1b: {  	s9 =	sadd.s32 $0xFFFFFEF7, lr;
	s5 =	simm.s32 $0xFFFFFFFF;
	p2 =	slt.u32 s8, $0xFFFFF086  }
0x1c: {  	p1 =	slt.u32 s9, $0xF7A;
	s5 =	simm.s32 @!p2 $0x0  }
0x1d: {  	s5 =	simm.s32 @p1 $0x1;
	p0 =	seq.s32 s7, s2  }
0x1e: {  	s7 =	smul.u32 @!p0 $0xF7A, s2;
	p2 =	seq.s32 @!p0 s5, $0x0  }
0x1f: {  	s9 =	smul.u32 $0xF7A, s1;
	s8 =	simm.s32 @!p0 $0x1BF5;
	p2 =	por !p2, p0  }
0x20: {  	[sflag:s8] =	ssyncset.s32 @!p0 $0xFFFFF086;
	s6 =	sadd.s32 @!p0 s3, s7;
	s7 =	simm.s32 @!p0 $0x108  }
0x21: {  	s3 =	sadd.s32 s3, s9;
	s6 =	sadd.s32 @!p0 $0x88, s6;
	s7 =	simm.s32 @p2 $0x1082  }
0x22: {  	[simem:s7], [sflag:s8] =	dma.local @!p0 [hbm:s6], $0xF7A  }
0x23: {  	s9 =	sor.u32 $0xD0000000, s2;
	s6 =	simm.s32 $0x108;
	_ =	swait.ge @!p0 [sflag:s8], $0x0  }
0x24: {  	s3 =	sadd.s32 $0x88, s3;
	s6 =	simm.s32 @!p1 $0x1082;
	[sflag:s4] =	ssyncset.s32 $0xFFFFF086  }
0x25: {  	[simem:s6], [sflag:s4] =	dma.local [hbm:s3], $0xF7A  }
0x26: {  	[smem:$0x3F9E] =	sst s1;
	(tag) =	ssettag s2;
	_ =	strace s9  }
0x27: {  	s1 =	sld [smem:$0x3FAE]  }
0x28: {  	s2 =	sld [smem:$0x3FAF]  }
0x29: {  	s4 =	sld [smem:$0x3FB1]  }
0x2a: {  	p0 =	seq.s32 s5, $0x0;
	s5 =	sld [smem:$0x3FB2]  }
0x2b: {  	s6 =	sld [smem:$0x3FB3]  }
0x2c: {  	s7 =	sld [smem:$0x3FB4]  }
0x2d: {  	s3 =	simm.s32 $0x108;
	s8 =	sld [smem:$0x3FB5]  }
0x2e: {  	s3 =	simm.s32 @!p0 $0x1082;
	s9 =	sld [smem:$0x3FB6]  }
0x2f: {  	lr =	sadd.s32 s0, s3;
	s0 =	sld [smem:$0x3FAD]  }
0x30: {  	s3 =	sld [smem:$0x3FB0]  }
0x31: {  	[smem:$0x3FB9] =	sst s10  }
0x32: {  	s10 =	sld [smem:$0x3FB7];
	_ =	sdelay $0x3  }
0x33: {  	p0 =	seq.s32 s10, $0x1;
	s10 =	sld [smem:$0x3FB9];
	_ =	sdelay $0x3  }
0x34: {  	[smem:$0x3FB9] =	sst s10  }
0x35: {  	s10 =	sld [smem:$0x3FB8];
	_ =	sdelay $0x3  }
0x36: {  	p1 =	seq.s32 s10, $0x1;
	s10 =	sld [smem:$0x3FB9];
	_ =	sdelay $0x3  }
0x37: {  	[smem:$0x3FB9] =	sst s10  }
0x38: {  	s10 =	sld [smem:$0x3FBA]  }
0x39: {  	_ = 	snop;
	(pc) =	sbr.ind lr, $3  }
0x3a: {  	_ = 	snop  }
0x3b: {  	_ = 	snop  }
0x3c: {  	p2 =	seq.s32 s10, $0x1;
	s10 =	sld [smem:$0x3FB9]  }
0x3d: {  	_ =	shalt  }
0x3e: {  	_ =	shalt  }
0x3f: {  	_ =	shalt  }
0x40: {  	_ =	shalt  }
0x41: {  	_ =	shalt  }
0x42: {  	_ =	shalt  }
0x43: {  	_ =	shalt  }
0x44: {  	_ =	shalt  }
0x45: {  	_ =	shalt  }
0x46: {  	_ =	shalt  }
0x47: {  	_ =	shalt  }
0x48: {  	_ =	shalt  }
0x49: {  	_ =	shalt  }
0x4a: {  	_ =	shalt  }
0x4b: {  	_ =	shalt  }
0x4c: {  	_ =	shalt  }
0x4d: {  	_ =	shalt  }
0x4e: {  	_ =	shalt  }
0x4f: {  	_ =	shalt  }
0x50: {  	_ =	shalt  }
0x51: {  	_ =	shalt  }
0x52: {  	_ =	shalt  }
0x53: {  	_ =	shalt  }
0x54: {  	_ =	shalt  }
0x55: {  	_ =	shalt  }
0x56: {  	_ =	shalt  }
0x57: {  	_ =	shalt  }
0x58: {  	_ =	shalt  }
0x59: {  	_ =	shalt  }
0x5a: {  	_ =	shalt  }
0x5b: {  	_ =	shalt  }
0x5c: {  	_ =	shalt  }
0x5d: {  	_ =	shalt  }
0x5e: {  	_ =	shalt  }
0x5f: {  	_ =	shalt  }
0x60: {  	_ =	shalt  }
0x61: {  	_ =	shalt  }
0x62: {  	_ =	shalt  }
0x63: {  	_ =	shalt  }
0x64: {  	_ =	shalt  }
0x65: {  	_ =	shalt  }
0x66: {  	_ =	shalt  }
0x67: {  	_ =	shalt  }
0x68: {  	_ =	shalt  }
0x69: {  	_ =	shalt  }
0x6a: {  	_ =	shalt  }
0x6b: {  	_ =	shalt  }
0x6c: {  	_ =	shalt  }
0x6d: {  	_ =	shalt  }
0x6e: {  	_ =	shalt  }
0x6f: {  	_ =	shalt  }
0x70: {  	_ =	shalt  }
0x71: {  	_ =	shalt  }
0x72: {  	_ =	shalt  }
0x73: {  	_ =	shalt  }
0x74: {  	_ =	shalt  }
0x75: {  	_ =	shalt  }
0x76: {  	_ =	shalt  }
0x77: {  	_ =	shalt  }
0x78: {  	_ =	shalt  }
0x79: {  	_ =	shalt  }
0x7a: {  	_ =	shalt  }
0x7b: {  	_ =	shalt  }
0x7c: {  	_ =	shalt  }
0x7d: {  	_ =	shalt  }
0x7e: {  	_ =	shalt  }
0x7f: {  	_ =	shalt  }
0x80: {  	_ =	shalt  }
0x81: {  	_ =	shalt  }
0x82: {  	_ =	shalt  }
0x83: {  	_ =	shalt  }
0x84: {  	_ =	shalt  }
0x85: {  	_ =	shalt  }
0x86: {  	_ =	shalt  }
0x87: {  	_ =	shalt  }
.Lfunc_end0:
.L_simem_size_0:
called_computation_lowered:
.L_overlay_start_0:
0x88: {  	s2 =	sld [smem:$0x3FD9]  }
0x89: {  	s3 =	sld [smem:$0x3FFE];
	_ =	sdelay $0x1  }
0x8a: {  	s1 =	srdreg.scid  }
0x8b: {  	s0 =	sand.u32 $0x1, s1  }
0x8c: {  	s15 =	sshll.u32 s0, $0xA;
	s2 =	sadd.s32 s3, s2  }
0x8d: {  	s2 =	sadd.s32 s2, s15  }
0x8e: {  	[smem:$0x3FC5] =	sst s2  }
0x8f: {  	_ = 	snop  }
0x90: {  	s2 =	sld [smem:$0x3FD0];
	_ =	sdelay $0x2  }
0x91: {  	s16 =	simm.s32 $0xB;
	s4 =	simm.s32 $0x10  }
0x92: {  	[smem:s4], [sflag:s16] =	dma.local [hbm:s2], $0x1  }
0x93: {  	_ =	swait.eq [sflag:s16], $0x1  }
0x94: {  	[sflag:s16] =	ssyncset.done $0x0  }
0x95: {  	[sflag:s16] =	ssyncadd.s32 $0xFFFFFFFF  }
0x96: {  	s17 =	sld [smem:$0x10];
	(tm) =	ssettm $0x1  }
0x97: {  	s18 =	sld [smem:$0x3FFB];
	_ =	sdelay $0x3  }
0x98: {  	_ =	strace s18  }
0x99: {  	s2 =	sld [smem:$0x3FFC];
	_ =	sdelay $0x3  }
0x9a: {  	_ =	strace s2  }
0x9b: {  	s2 =	sld [smem:$0x3FFD];
	_ =	sdelay $0x3  }
0x9c: {  	_ =	strace s2  }
0x9d: {  	_ =	strace $0x8FFFFFFF  }
0x9e: {  	s19 =	sld [smem:$0x3FDB];
	_ =	sdelay $0x1  }
0x9f: {  	s20 =	simm.s32 $_scs_section_size  }
0xa0: {  	s5 =	simm.s32 $_size__tile_overlayer_lowered;
	s6 =	simm.s32 $_tile_overlayer_lowered  }
0xa1: {  	s7 =	simm.s32 $0x1BFF;
	s21 =	sshll.u32 s6, $0x1;
	s4 =	sadd.s32 s20, s19  }
0xa2: {  	s22 =	simm.s32 $0x0;
	s5 =	sshll.u32 s5, $0x1;
	s6 =	sadd.s32 s21, s4  }
0xa3: {  	[timem:s22], [sflag:s7] =	dma.local [hbm:s6], s5  }
0xa4: {  	_ =	swait.ge [sflag:s7], s5  }
0xa5: {  	s5 =	ssub.s32 $0x0, s5;
	[sflag:s7] =	ssyncset.done $0x0  }
0xa6: {  	[sflag:s7] =	ssyncadd.s32 s5;
	_ =	sdelay $0x1  }
0xa7: {  	s23 =	simm.s32 $0x1B8B  }
0xa8: {  	_ =	swait.ge [sflag:s23], $0x1  }
0xa9: {  	[sflag:s23] =	ssyncset.done $0x0  }
0xaa: {  	[sflag:s23] =	ssyncadd.s32 $0xFFFFFFFF  }
0xab: {  	s5 =	sld [smem:$0x0]  }
0xac: {  	s6 =	sand.u32 $0xFFFFFFFE, s1  }
0xad: {  	p0 =	sne.s32 s1, s6  }
0xae: {  	s6 =	sshll.u32 @p0 s6, $0xE  }
0xaf: {  	s6 =	sadd.s32 @p0 $0x11B8D, s6;
	s7 =	sshll.u32 @p0 s5, $0x11  }
0xb0: {  	s6 =	sor.u32 @p0 s7, s6  }
0xb1: {  	[sflag:s6] =	ssyncadd.remote.s32 @p0 $0x1;
	_ =	sdelay $0x1  }
0xb2: {  	s6 =	simm.s32 @p0 $0x1B8D  }
0xb3: {  	_ =	swait.eq @p0 [sflag:s6], $0x1  }
0xb4: {  	[sflag:s6] =	ssyncadd.s32 @p0 $0xFFFFFFFF  }
0xb5: {  	s7 =	sshll.u32 @!p0 s1, $0xE  }
0xb6: {  	s7 =	sor.u32 @!p0 $0x4000, s7;
	s6 =	simm.s32 @!p0 $0x1B8D  }
0xb7: {  	s5 =	sshll.u32 @!p0 s5, $0x11;
	s7 =	sadd.s32 @!p0 $0x11B8D, s7;
	_ =	swait.eq @!p0 [sflag:s6], $0x1  }
0xb8: {  	s5 =	sor.u32 @!p0 s5, s7;
	[sflag:s6] =	ssyncadd.s32 @!p0 $0xFFFFFFFF  }
0xb9: {  	s25 =	simm.s32 $0x1B8E;
	s24 =	sld [smem:$0x3FFE];
	[sflag:s5] =	ssyncadd.remote.s32 @!p0 $0x1  }
0xba: {  	s26 =	simm.s32 $execute0_lowered;
	[smem:$0x3FD2] =	sst s25  }
0xbb: {  	s6 =	sshll.u32 s26, $0x1;
	_ =	strace $0x80000049;
	[dreg:$0x1] =	wrdreg $0xFFFFFFFF  }
0xbc: {  	s28 =	simm.s32 $_size_execute0_lowered;
	s4 =	sadd.s32 s4, s6;
	[dreg:$0x0] =	wrdreg $0x0  }
0xbd: {  	s6 =	sshll.u32 s28, $0x1;
	[dreg:$0x2] =	wrdreg s4  }
0xbe: {  	[dreg:$0x3] =	wrdreg s6  }
0xbf: {  	[dreg:$0x4] =	wrdreg $0xC0  }
0xc0: {  	_ =	task [dreg:s22], $0x5FFFF  }
0xc1: {  	[dreg:$0x1] =	wrdreg $0xFFFFFFFF  }
0xc2: {  	[dreg:$0x0] =	wrdreg $0x60  }
0xc3: {  	[dreg:$0x2] =	wrdreg s24  }
0xc4: {  	[dreg:$0x3] =	wrdreg s17  }
0xc5: {  	[dreg:$0x4] =	wrdreg $0x9  }
0xc6: {  	_ =	task.clear_ibuf [dreg:s22], $0x5FFFF;
	_ =	strace $0x90000049  }
0xc7: {  	s29 =	simm.s32 $0x9;
	_ =	strace $0x8000004B  }
0xc8: {  	_ =	swait.ge [sflag:s29], $0x1  }
0xc9: {  	[sflag:s29] =	ssyncadd.s32 $0xFFFFFFFF  }
0xca: {  	_ =	strace $0x9000004B  }
0xcb: {  	_ =	sfence  }
0xcc: {  	s30 =	sld [smem:$0x0];
	_ =	sdelay $0x2  }
0xcd: {  	s31 =	sshll.u32 s1, $0xD;
	s1 =	sshrl.u32 s1, $0x2  }
0xce: {  	s4 =	sand.u32 $0x4000, s31;
	s1 =	sadd.s32 s1, s30  }
0xcf: {  	s0 =	sor.u32 s4, s0;
	s1 =	sshll.u32 s1, $0x11  }
0xd0: {  	s0 =	sor.u32 s1, s0  }
0xd1: {  	s0 =	sadd.s32 $0x8F2B, s0  }
0xd2: {  	[sflag:s0] =	ssyncadd.remote.s32 $0x1  }
0xd3: {  	_ =	sfence.sel $0xFFFF  }
0xd4: {  	[dreg:$0x0] =	wrdreg $0xFFFFFFFF;
	(pc) =	sbr.abs _section_cstart, $3  }
0xd5: {  	[dreg:$0x1] =	wrdreg $0xFFFFFFFF  }
0xd6: {  	_ =	task.clear_ibuf [dreg:s22], $0x2FFFF;
	_ =	strace $0x9FFFFFFF  }
0xd7: {  	(tm) =	ssettm $0x7FFFFFFF  }
tec
execute0_lowered:
.L_overlay_start_1:
0x0: {  	(tag) =	ssettag $0x1  }
0x1: {  	s0 =	srdreg.scid  }
0x2: {  	s1 =	sshll.u32 s0, $0x4  }
0x3: {  	s0 =	stileid.u32;
	s1 =	sand.u32 $0x10, s1  }
0x4: {  	s2 =	sor.u32 s0, s1  }
0x5: {  	s1 =	smin.u32 s2, $0x12  }
0x6: {  	s1 =	sadd.s32 s2, s1  }
0x7: {  	p0 =	slt.u32 s2, $0x12;
	s2 =	simm.s32 $0xA0;
	s1 =	smul.u32 $0x50, s1  }
0x8: {  	s2 =	simm.s32 @!p0 $0x50  }
0x9: {  	s2 =	sadd.s32 s2, s1  }
0xa: {  	s3 =	smin.u32 s2, $0xFA0  }
0xb: {  	s7 =	ssub.s32 s3, s1  }
0xc: {  	p0 =	sgt.s32 s7, $0x0  }
0xd: {  	s7 =	simm.s32 @!p0 $0x0  }
0xe: {  	s9 =	rddreg [dreg:$0x0];
	s31 =	smul.u32 $0xCCCD, s7  }
0xf: {  	s4 =	rddreg [dreg:$0x1];
	s6 =	simm.s32 $0x1  }
0x10: {  	s11 =	simm.s32 $0x3;
	s13 =	simm.s32 $0x0;
	s8 =	sshrl.u32 s31, $0x16  }
0x11: {  	s12 =	simm.s32 $0x0;
	s5 =	sadd.s32 $0xAC000, s9;
	s10 =	smul.u32 $0x50, s8  }
.Ltmp0:
0x12: {  	s9 =	sadd.s32 $0xFA200, s9;
	s2 =	rddreg [dreg:$0x2];
	(pc) =	sbr.rel .LBB2_1-.Ltmp0, $4  }
0x13: {  	_ =	strace $0x8000004A;
	p0 =	sne.s32 s7, s10;
	s10 =	simm.s32 $0x1  }
0x14: {  	[sflag:s6] =	ssyncpa.u1 $0x0;
	s7 =	simm.s32 $0x2;
	s10 =	simm.s32 @!p0 $0x0  }
0x15: {  	[sflag:s7] =	ssyncpa.u1 $0x0;
	p0 =	por $0x0, $0x0;
	s8 =	sadd.s32 s8, s10  }
0x16: {  	vm0 =	vmmov $0xff;
	vm1 =	vcmask $0x3F20;
	[sflag:s11] =	ssyncpa.u1 $0x0;
	s11 =	smov.u32 s1;
	s10 =	sadd.s32 $0x1, s8  }
.LBB2_6:
0x17: {  	[hbm:s17] =	stream.linear.scatter [tilespmem:s14], [sflag:$0x3], $0x400, $0x38;
	[tilespmem:$0x50A0] =	vst v63  }
.LBB2_7:
0x18: {  	s13 =	sadd.s32 $0x50, s11  }
0x19: {  	s15 =	smov.u32 s1;
	p2 =	slt.s32 s13, s3  }
0x1a: {  	s15 =	smov.u32 @p2 s13;
	p2 =	sne.s32 s12, s10  }
.Ltmp1:
0x1b: {  	p1 =	slt.u32 s12, $0x2;
	(pc) =	sbr.rel @!p2 .LBB2_8-.Ltmp1, $4  }
0x1c: {  	s14 =	simm.s32 @!p1 $0x3  }
0x1d: {  	s16 =	sadd.s32 $0x1, s12;
	_ =	swait.ge @!p1 [sflag:s14], $0x2800  }
0x1e: {  	p0 =	por !p0, !p0;
	s13 =	smov.u32 s11;
	[sflag:s14] =	ssyncset.done @!p1 $0x0  }
0x1f: {  	s12 =	smov.u32 s16;
	s11 =	smov.u32 s15;
	[sflag:s14] =	ssyncadd.s32 @!p1 $0xFFFFD800  }
.LBB2_1:
0x20: {  	p1 =	sge.u32 s12, s8  }
0x21: {  	s14 =	sxor.u32 @!p1 $0xFFFFFFFF, s12  }
0x22: {  	s14 =	sand.u32 @!p1 $0x1, s14  }
0x23: {  	s14 =	smul.u32 @!p1 $0x140, s14  }
0x24: {  	s31 =	sadd.s32 $0xFFFFFFFF, s12;
	s15 =	sshrl.u32 @!p1 s11, $0x3  }
0x25: {  	s16 =	sand.u32 @!p1 $0x7, s11;
	s15 =	sadd.s32 @!p1 s4, s15;
	s14 =	sshrl.u32 @!p1 s14, $0x2  }
0x26: {  	[tilespmem:s14], [sflag:$0x2] =	stream.linear.gather @!p1 [hbm4b:s15+s16], $0x50, $0x38;
	[tilespmem:$0x50A0] =	vst v63  }
0x27: {  	p1 =	sge.u32 s31, s8  }
.Ltmp2:
0x28: {  	_ = 	snop;
	(pc) =	sbr.rel @p1 .LBB2_7-.Ltmp2, $1  }
0x29: {  	_ =	sdelay $0x3  }
0x2a: {  	s14 =	simm.s32 $0x1  }
0x2b: {  	s14 =	simm.s32 @!p0 $0x0  }
0x2c: {  	s15 =	smul.u32 $0x140, s14  }
0x2d: {  	_ =	swait.ge [sflag:s7], $0x50  }
0x2e: {  	[sflag:s7] =	ssyncset.done $0x0;
	s16 =	sshrl.u32 s15, $0x2  }
0x2f: {  	[sflag:s7] =	ssyncadd.s32 $0xFFFFFFB0;
	s15 =	sadd.s32 $0x0, s16  }
0x30: {  	v0 =	vld.msk [tilespmem:s15+$0x0 ss:$0x1], $0xffff;
	_ =	sdelay $0x4  }
0x31: {  	vm2 =	vgt.s32 v0, $0x0  }
0x32: {  	v0 =	vnsel vm2, $0x0, v0  }
0x33: {  	v0 =	vmin.u32 v0, $0x4E1F  }
0x34: {  	v0 =	vshll.u32 v0, $0x4  }
0x35: {  	s14 =	smul.u32 $0xA000, s14;
	_ =	sdelay $0x1  }
0x36: {  	s14 =	sshrl.u32 s14, $0x2  }
0x37: {  	s14 =	sor.u32 $0xA0, s14  }
0x38: {  	[tilespmem:s14], [sflag:$0x1] =	stream.indirect_vreg.gather [hbm:s5], $0x80, v0, vm0, $0x38;
	[tilespmem:$0x50A0] =	vst v63  }
0x39: {  	s17 =	sadd.s32 $0x10, s16;
	s15 =	sadd.s32 $0x400, s14  }
0x3a: {  	[tilespmem:s15], [sflag:$0x1] =	stream.indirect_vreg.gather [hbm:s5], $0x80, v0, vm1, $0x38;
	[tilespmem:$0x50A0] =	vst v63  }
0x3b: {  	s18 =	simm.s32 $0x80;
	v0 =	vld.msk [tilespmem:s17+$0x0 ss:$0x1], $0xffff;
	s17 =	smov.u32 s14  }
.LBB2_3:
0x3c: {  	p1 =	sne.s32 s18, $0x100;
	_ =	sdelay $0x4  }
0x3d: {  	vm2 =	vgt.s32 v0, $0x0  }
0x3e: {  	v0 =	vnsel vm2, $0x0, v0  }
0x3f: {  	v0 =	vmin.u32 v0, $0x4E1F  }
0x40: {  	v0 =	vshll.u32 v0, $0x4;
	_ =	sdelay $0x3  }
.Ltmp3:
0x41: {  	s19 =	sshra.s32 s18, $0x2;
	s17 =	sadd.s32 $0x800, s17;
	(pc) =	sbr.rel @p1 .LBB2_3-.Ltmp3, $4  }
0x42: {  	[tilespmem:s17], [sflag:$0x1] =	stream.indirect_vreg.gather [hbm:s5], $0x80, v0, vm0, $0x38;
	[tilespmem:$0x50A0] =	vst v63  }
0x43: {  	s19 =	sadd.s32 s19, s16;
	s20 =	sadd.s32 $0x400, s17  }
0x44: {  	[tilespmem:s20], [sflag:$0x1] =	stream.indirect_vreg.gather [hbm:s5], $0x80, v0, vm1, $0x38;
	[tilespmem:$0x50A0] =	vst v63  }
0x45: {  	s18 =	sadd.s32 $0x40, s18;
	v0 =	vld.msk [tilespmem:s19+$0x0 ss:$0x1], $0xffff  }
0x46: {  	_ =	sdelay $0x3  }
0x47: {  	vm2 =	vgt.s32 v0, $0x0  }
0x48: {  	v0 =	vnsel vm2, $0x0, v0  }
0x49: {  	v0 =	vmin.u32 v0, $0x4E1F  }
0x4a: {  	v0 =	vshll.u32 v0, $0x4;
	_ =	sdelay $0x3  }
0x4b: {  	s16 =	sadd.s32 $0x800, s17  }
0x4c: {  	[tilespmem:s16], [sflag:$0x1] =	stream.indirect_vreg.gather [hbm:s5], $0x80, v0, vm0, $0x38;
	[tilespmem:$0x50A0] =	vst v63  }
0x4d: {  	s16 =	sadd.s32 $0x400, s16  }
0x4e: {  	[tilespmem:s16], [sflag:$0x1] =	stream.indirect_vreg.gather [hbm:s5], $0x80, v0, vm1, $0x38;
	[tilespmem:$0x50A0] =	vst v63  }
0x4f: {  	s13 =	sshll.u32 s13, $0x4;
	_ =	swait.ge [sflag:s6], $0x2800  }
0x50: {  	s13 =	sadd.s32 s13, s9;
	[sflag:s6] =	ssyncset.done $0x0  }
0x51: {  	s17 =	sadd.s32 $0x0, s13;
	s16 =	simm.s32 $0x80;
	[sflag:s6] =	ssyncadd.s32 $0xFFFFD800  }
.LBB2_5:
0x52: {  	[hbm:s17] =	stream.linear.scatter [tilespmem:s14], [sflag:$0x3], $0x400, $0x38;
	[tilespmem:$0x50A0] =	vst v63  }
0x53: {  	s17 =	smov.u32 s16;
	s14 =	smov.u32 s15;
	p1 =	sne.s32 s16, $0x480  }
.Ltmp4:
0x54: {  	s16 =	sadd.s32 $0x80, s16;
	(pc) =	sbr.rel @p1 .LBB2_5-.Ltmp4, $2  }
0x55: {  	_ =	sdelay $0x2  }
0x56: {  	s15 =	sadd.s32 $0x400, s15;
	s17 =	sadd.s32 s17, s13  }
.Ltmp5:
0x57: {  	_ = 	snop;
	(pc) =	sbr.rel .LBB2_6-.Ltmp5, $1  }
0x58: {  	_ =	sdelay $0x3  }
.LBB2_8:
0x59: {  	_ =	sfence.sel $0x180000  }
0x5a: {  	s1 =	simm.s32 $0x2;
	[bflag:$0x0] =	sbarrier.arrive $0xFFFF  }
0x5b: {  	s30 =	simm.s32 $0x3;
	[sflag:s1] =	ssyncpa.u1 $0x1  }
0x5c: {  	s31 =	simm.s32 $0x1;
	[sflag:s30] =	ssyncpa.u1 $0x1  }
0x5d: {  	[sflag:s31] =	ssyncpa.u1 $0x1  }
0x5e: {  	p0 =	sne.s32 s0, $0x0;
	_ =	strace $0x9000004A  }
0x5f: {  	s0 =	sadd.s32 @!p0 $0x100000, s2;
	[bflag:$0x2] =	sbarrier.arrive $0xFFFF  }
0x60: {  	[sflag:s0] =	ssyncadd.tile.s32 @!p0 $0x1;
	_ =	shalt  }
.Lfunc_end2:
_tile_overlayer_lowered:
.L_overlay_start_2:
0x61: {  	(tag) =	ssettag $0x2  }
0x62: {  	s0 =	rddreg [dreg:$0x0];
	s2 =	stileid.u32  }
0x63: {  	s1 =	rddreg [dreg:$0x1];
	p0 =	sne.s32 s2, $0x0  }
0x64: {  	s3 =	rddreg [dreg:$0x2];
	[bflag:$0x3] =	sbarrier.arrive $0xFFFF;
	s2 =	simm.s32 @!p0 $0x1C01  }
0x65: {  	[timem:s3], [sflag:s2] =	dma.local @!p0 [hbm:s0], s1  }
0x66: {  	s0 =	simm.s32 @!p0 $0x1  }
0x67: {  	_ =	swait.ge @!p0 [sflag:s0], s1  }
0x68: {  	s1 =	ssub.s32 @!p0 $0x0, s1;
	[sflag:s0] =	ssyncset.done @!p0 $0x0  }
0x69: {  	[sflag:s0] =	ssyncadd.s32 @!p0 s1  }
0x6a: {  	[bflag:$0x3] =	sbarrier.arrive $0xFFFF  }
0x6b: {  	_ =	shalt  }

</sc_bundles>
